<compile_context>
chip_gen: v7x
topology: tpu7x:2x2x1
jax: 0.10.2.dev20260603
libtpu: 0.0.44.dev20260713+nightly
codegen_flags: <defaults>
</compile_context>

<pallas_src>
import functools

import jax
import jax.numpy as jnp
from jax import lax
from jax.experimental import pallas as pl
from jax.experimental.pallas import tpu as pltpu
from jax.experimental.pallas import tpu_sc as plsc

N = 10000
E = 320000
D_IN = 128
D_HID = 150
D_OUT = 128
DD = 8

NC, NS = 2, 16
NW = NC * NS
EW = E // NW
K = 96
NCH = 105
EWP = NCH * K
RPS = N // NS
NB = 2

_MESH = plsc.VectorSubcoreMesh(
    core_axis_name="c", subcore_axis_name="s", num_cores=NC, num_subcores=NS)


def _make_agg(with_deg, dtype=jnp.float32):
  out_type = [jax.ShapeDtypeStruct((NC, N, D_IN), dtype)]
  scratch = [
      pltpu.VMEM((NCH, K), jnp.int32),
      pltpu.VMEM((NCH, K), jnp.int32),
      [pltpu.VMEM((K, D_IN), dtype)] * NB,
      pltpu.VMEM_SHARED((N + 16, D_IN), dtype),
      [pltpu.SemaphoreType.DMA] * NB,
  ]
  if with_deg:
    out_type.append(jax.ShapeDtypeStruct((NC, N, DD), jnp.float32))
    scratch += [
        pltpu.VMEM((K, DD), jnp.float32),
        pltpu.VMEM_SHARED((N + 16, DD), jnp.float32),
    ]

  @functools.partial(
      pl.kernel,
      mesh=_MESH,
      compiler_params=pltpu.CompilerParams(use_tc_tiling_on_sc=False),
      out_type=tuple(out_type),
      scratch_types=scratch,
  )
  def agg(*refs):
    if with_deg:
      (feat_hbm, src_hbm, dst_hbm, zeros_hbm, zeros8_hbm, ones_hbm,
       out_hbm, outd_hbm, src_v, dst_v, bufs, acc, gsems,
       ones_v, accd) = refs
    else:
      (feat_hbm, src_hbm, dst_hbm, zeros_hbm,
       out_hbm, src_v, dst_v, bufs, acc, gsems) = refs
    c = lax.axis_index("c")
    s = lax.axis_index("s")
    wid = s * NC + c
    base = s * RPS
    pltpu.sync_copy(zeros_hbm.at[pl.ds(base, RPS)], acc.at[pl.ds(base, RPS)])
    pltpu.sync_copy(src_hbm.at[wid], src_v)
    pltpu.sync_copy(dst_hbm.at[wid], dst_v)
    if with_deg:
      pltpu.sync_copy(zeros8_hbm.at[pl.ds(base, RPS)],
                      accd.at[pl.ds(base, RPS)])
      pltpu.sync_copy(ones_hbm, ones_v)
    plsc.subcore_barrier()

    def gath(j, b):
      pltpu.async_copy(feat_hbm.at[src_v.at[j]], bufs[b], gsems[b])

    def scat(j, b):
      pltpu.make_async_copy(feat_hbm.at[src_v.at[j]], bufs[b], gsems[b]).wait()
      pltpu.sync_copy(bufs[b], acc.at[dst_v.at[j]], add=True)
      if with_deg:
        pltpu.sync_copy(ones_v, accd.at[dst_v.at[j]], add=True)

    gath(0, 0)

    def body(i, carry):
      j0 = 2 * i
      j1 = j0 + 1

      @pl.when(j1 < NCH)
      def _():
        gath(j1, 1)

      scat(j0, 0)

      @pl.when(j0 + 2 < NCH)
      def _():
        gath(j0 + 2, 0)

      @pl.when(j1 < NCH)
      def _():
        scat(j1, 1)

      return carry

    lax.fori_loop(0, (NCH + 1) // 2, body, 0)
    plsc.subcore_barrier()
    pltpu.sync_copy(acc.at[pl.ds(base, RPS)], out_hbm.at[c, pl.ds(base, RPS)])
    if with_deg:
      pltpu.sync_copy(accd.at[pl.ds(base, RPS)],
                      outd_hbm.at[c, pl.ds(base, RPS)])

  return agg


_AGG1 = _make_agg(True, jnp.bfloat16)
_AGG2 = _make_agg(False, jnp.bfloat16)

_R = 1000


def _tc1(x, parts1, degp, w1s, w1n, b1, w2s, w2n, b2):

  def body(x_ref, p_ref, d_ref, w1s_ref, w1n_ref, b1_ref, w2s_ref, w2n_ref,
           b2_ref, p2_ref, s2_ref):
    agg = (p_ref[0].astype(jnp.float32)
           + p_ref[1].astype(jnp.float32))
    deg = d_ref[0, :, :1] + d_ref[1, :, :1]
    hn = agg * (1.0 / jnp.maximum(deg, 1.0))
    h1 = jnp.maximum(
        jnp.dot(x_ref[...], w1s_ref[...], preferred_element_type=jnp.float32)
        + jnp.dot(hn, w1n_ref[...], preferred_element_type=jnp.float32)
        + b1_ref[...], 0.0)
    p2_ref[...] = jnp.dot(
        h1, w2n_ref[...],
        preferred_element_type=jnp.float32).astype(jnp.bfloat16)
    s2_ref[...] = (jnp.dot(h1, w2s_ref[...], preferred_element_type=jnp.float32)
                   + b2_ref[...])

  return pl.pallas_call(
      body,
      grid=(N // _R,),
      in_specs=[
          pl.BlockSpec((_R, D_IN), lambda i: (i, 0)),
          pl.BlockSpec((NC, _R, D_IN), lambda i: (0, i, 0)),
          pl.BlockSpec((NC, _R, DD), lambda i: (0, i, 0)),
          pl.BlockSpec((D_IN, D_HID), lambda i: (0, 0)),
          pl.BlockSpec((D_IN, D_HID), lambda i: (0, 0)),
          pl.BlockSpec((1, D_HID), lambda i: (0, 0)),
          pl.BlockSpec((D_HID, D_OUT), lambda i: (0, 0)),
          pl.BlockSpec((D_HID, D_OUT), lambda i: (0, 0)),
          pl.BlockSpec((1, D_OUT), lambda i: (0, 0)),
      ],
      out_specs=[
          pl.BlockSpec((_R, D_OUT), lambda i: (i, 0)),
          pl.BlockSpec((_R, D_OUT), lambda i: (i, 0)),
      ],
      out_shape=[
          jax.ShapeDtypeStruct((N, D_OUT), jnp.bfloat16),
          jax.ShapeDtypeStruct((N, D_OUT), jnp.float32),
      ],
  )(x, parts1, degp, w1s, w1n, b1, w2s, w2n, b2)


def _tc2(s2, parts2, degp):

  def body(s2_ref, p_ref, d_ref, o_ref):
    deg = d_ref[0, :, :1] + d_ref[1, :, :1]
    agg = p_ref[0].astype(jnp.float32) + p_ref[1].astype(jnp.float32)
    o_ref[...] = s2_ref[...] + agg * (1.0 / jnp.maximum(deg, 1.0))

  return pl.pallas_call(
      body,
      grid=(N // _R,),
      in_specs=[
          pl.BlockSpec((_R, D_OUT), lambda i: (i, 0)),
          pl.BlockSpec((NC, _R, D_OUT), lambda i: (0, i, 0)),
          pl.BlockSpec((NC, _R, DD), lambda i: (0, i, 0)),
      ],
      out_specs=pl.BlockSpec((_R, D_OUT), lambda i: (i, 0)),
      out_shape=jax.ShapeDtypeStruct((N, D_OUT), jnp.float32),
  )(s2, parts2, degp)


def kernel(in_feat, edge_index, W1_self, W1_neigh, b1, W2_self, W2_neigh, b2):
  pad = ((0, 0), (0, EWP - EW))
  src = jnp.pad(edge_index[0].astype(jnp.int32).reshape(NW, EW), pad,
                constant_values=0).reshape(NW, NCH, K)
  dst = jnp.pad(edge_index[1].astype(jnp.int32).reshape(NW, EW), pad,
                constant_values=N).reshape(NW, NCH, K)
  zeros128 = jnp.zeros((N, D_IN), jnp.bfloat16)
  zeros8 = jnp.zeros((N, DD), jnp.float32)
  ones = jnp.ones((K, DD), jnp.float32)
  parts1, degp = _AGG1(in_feat.astype(jnp.bfloat16), src, dst, zeros128,
                       zeros8, ones)
  p2, s2 = _tc1(in_feat, parts1, degp, W1_self.T, W1_neigh.T,
                b1.reshape(1, -1), W2_self.T, W2_neigh.T, b2.reshape(1, -1))
  (parts2,) = _AGG2(p2, src, dst, zeros128)
  return _tc2(s2, parts2, degp)

# --- scband reference (transcript-rebuilt; emitter-appended) ---
"""Pipeline reference for scband-graph-sage-23630910063248 (READ-ONLY COPY).

The authoritative reference and input builder live on the scoring server;
editing this copy changes nothing except your own understanding.
"""

import jax, jax.numpy as jnp
import numpy as np

N_NODES = 10000
N_EDGES = 320000
D_IN = 128
D_HID = 150
D_OUT = 128


def setup_inputs(seed: int = 0) -> dict:
    key = jax.random.key(seed)
    ks = jax.random.split(key, 8)
    in_feat = jax.random.normal(ks[0], (N_NODES, D_IN), dtype=jnp.float32)
    edge_index = jax.random.randint(ks[1], (2, N_EDGES), 0, N_NODES, dtype=jnp.int64)
    # SAGEConv 'mean' layer 1: in 128 -> 150
    s1 = 1.0 / np.sqrt(D_IN)
    W1_self = jax.random.uniform(ks[2], (D_HID, D_IN), minval=-s1, maxval=s1, dtype=jnp.float32)
    W1_neigh = jax.random.uniform(ks[3], (D_HID, D_IN), minval=-s1, maxval=s1, dtype=jnp.float32)
    b1 = jnp.zeros((D_HID,), dtype=jnp.float32)
    # SAGEConv 'mean' layer 2: 150 -> 128
    s2 = 1.0 / np.sqrt(D_HID)
    W2_self = jax.random.uniform(ks[4], (D_OUT, D_HID), minval=-s2, maxval=s2, dtype=jnp.float32)
    W2_neigh = jax.random.uniform(ks[5], (D_OUT, D_HID), minval=-s2, maxval=s2, dtype=jnp.float32)
    b2 = jnp.zeros((D_OUT,), dtype=jnp.float32)
    return {"in_feat": in_feat, "edge_index": edge_index,
            "W1_self": W1_self, "W1_neigh": W1_neigh, "b1": b1,
            "W2_self": W2_self, "W2_neigh": W2_neigh, "b2": b2}


def _sage_conv_mean(h, src, dst, W_self, W_neigh, b, n_nodes):
    # mean aggregation over in-neighbors (messages flow src -> dst)
    msgs = jnp.take(h, src, axis=0)                       # gather [E, d]
    agg = jax.ops.segment_sum(msgs, dst, num_segments=n_nodes)  # scatter-add
    deg = jax.ops.segment_sum(jnp.ones((src.shape[0],), dtype=h.dtype), dst, num_segments=n_nodes)
    h_neigh = agg / jnp.clip(deg, 1.0)[:, None]
    return h @ W_self.T + h_neigh @ W_neigh.T + b


def reference(in_feat, edge_index, W1_self, W1_neigh, b1, W2_self, W2_neigh, b2):
    src = edge_index[0]
    dst = edge_index[1]
    h = _sage_conv_mean(in_feat, src, dst, W1_self, W1_neigh, b1, N_NODES)
    h = jax.nn.relu(h)
    h = _sage_conv_mean(h, src, dst, W2_self, W2_neigh, b2, N_NODES)
    return h

if __name__ == "__main__":
    import jax
    _d = setup_inputs()
    print(jax.jit(kernel)(*tuple(_d.values())))

</pallas_src>

<mosaic_0001>
#map = affine_map<(d0, d1) -> (0, 0)>
#map1 = affine_map<(d0, d1) -> (0, 0, 0)>
module attributes {stable_mosaic.version = 14 : i64} {
  func.func @agg(%arg0: i32, %arg1: i32, %arg2: memref<10000x128xbf16, #tpu.memory_space<hbm>>, %arg3: memref<32x105x96xi32, #tpu.memory_space<hbm>>, %arg4: memref<32x105x96xi32, #tpu.memory_space<hbm>>, %arg5: memref<10000x128xbf16, #tpu.memory_space<hbm>>, %arg6: memref<10000x8xf32, #tpu.memory_space<hbm>>, %arg7: memref<96x8xf32, #tpu.memory_space<hbm>>, %arg8: memref<2x10000x128xbf16, #tpu.memory_space<hbm>>, %arg9: memref<2x10000x8xf32, #tpu.memory_space<hbm>>, %arg10: memref<105x96xi32, #tpu.memory_space<vmem>>, %arg11: memref<105x96xi32, #tpu.memory_space<vmem>>, %arg12: memref<96x128xbf16, #tpu.memory_space<vmem>>, %arg13: memref<96x128xbf16, #tpu.memory_space<vmem>>, %arg14: memref<10016x128xbf16, #tpu.memory_space<vmem_shared>>, %arg15: memref<!tpu.dma_semaphore, #tpu.memory_space<semaphore_mem>>, %arg16: memref<!tpu.dma_semaphore, #tpu.memory_space<semaphore_mem>>, %arg17: memref<96x8xf32, #tpu.memory_space<vmem>>, %arg18: memref<10016x8xf32, #tpu.memory_space<vmem_shared>>) attributes {dimension_semantics = [#tpu.dimension_semantics<core_parallel>, #tpu.dimension_semantics<subcore_parallel>], iteration_bounds = array<i64: 2, 16>, scalar_prefetch = 0 : i64, scratch_operands = 9 : i64, tpu.core_type = #tpu.core_type<sc_vector_subcore>, window_params = [{transform_indices = #map}, {transform_indices = #map1}, {transform_indices = #map1}, {transform_indices = #map}, {transform_indices = #map}, {transform_indices = #map}, {transform_indices = #map1}, {transform_indices = #map1}]} {
    %mul3A = arith.constant 2 : i32
    %mul3A_0 = arith.muli %arg1, %mul3A : i32
    %add3A = arith.addi %mul3A_0, %arg0 : i32
    %mul3A_1 = arith.constant 625 : i32
    %mul3A_2 = arith.muli %arg1, %mul3A_1 : i32
    "tpu.region"() ({
      %run_scoped3A = tpu.sem_alloc : memref<!tpu.dma_semaphore, #tpu.memory_space<semaphore_mem>>
      %dma_start3A_15 = arith.constant 0 : i32
      %dma_start3A_16 = tpu.memref_slice %arg14[%mul3A_2, %dma_start3A_15] : memref<10016x128xbf16, #tpu.memory_space<vmem_shared>> -> memref<625x128xbf16, #tpu.memory_space<vmem_shared>>
      %dma_start3A_17 = arith.constant 0 : i32
      %dma_start3A_18 = tpu.memref_slice %arg5[%mul3A_2, %dma_start3A_17] : memref<10000x128xbf16, #tpu.memory_space<hbm>> -> memref<625x128xbf16, #tpu.memory_space<hbm>>
      tpu.enqueue_dma source(%dma_start3A_18 : memref<625x128xbf16, #tpu.memory_space<hbm>>) target(%dma_start3A_16 : memref<625x128xbf16, #tpu.memory_space<vmem_shared>>) target_semaphore(%run_scoped3A : memref<!tpu.dma_semaphore, #tpu.memory_space<semaphore_mem>>)
      %dma_wait3A = arith.constant 0 : i32
      %dma_wait3A_19 = tpu.memref_slice %arg14[%mul3A_2, %dma_wait3A] : memref<10016x128xbf16, #tpu.memory_space<vmem_shared>> -> memref<625x128xbf16, #tpu.memory_space<vmem_shared>>
      %dma_wait3A_20 = arith.constant 0 : i32
      %dma_wait3A_21 = tpu.memref_slice %arg5[%mul3A_2, %dma_wait3A_20] : memref<10000x128xbf16, #tpu.memory_space<hbm>> -> memref<625x128xbf16, #tpu.memory_space<hbm>>
      tpu.wait_dma2 semaphore(%run_scoped3A : memref<!tpu.dma_semaphore, #tpu.memory_space<semaphore_mem>>) src(%dma_wait3A_21 : memref<625x128xbf16, #tpu.memory_space<hbm>>) dst(%dma_wait3A_19 : memref<625x128xbf16, #tpu.memory_space<vmem_shared>>)
      tpu.yield
    }) : () -> ()
    "tpu.region"() ({
      %run_scoped3A = tpu.sem_alloc : memref<!tpu.dma_semaphore, #tpu.memory_space<semaphore_mem>>
      %dma_start3A_15 = arith.constant 0 : i32
      %dma_start3A_16 = arith.constant 0 : i32
      %dma_start3A_17 = tpu.memref_slice %arg3[%add3A, %dma_start3A_15, %dma_start3A_16] : memref<32x105x96xi32, #tpu.memory_space<hbm>> -> memref<1x105x96xi32, #tpu.memory_space<hbm>>
      %dma_start3A_18 = tpu.memref_squeeze %dma_start3A_17 : memref<1x105x96xi32, #tpu.memory_space<hbm>> -> memref<105x96xi32, #tpu.memory_space<hbm>>
      %dma_start3A_19 = arith.constant 0 : i32
      %dma_start3A_20 = arith.constant 0 : i32
      %dma_start3A_21 = tpu.memref_slice %arg3[%add3A, %dma_start3A_19, %dma_start3A_20] : memref<32x105x96xi32, #tpu.memory_space<hbm>> -> memref<1x105x96xi32, #tpu.memory_space<hbm>>
      %dma_start3A_22 = tpu.memref_squeeze %dma_start3A_21 : memref<1x105x96xi32, #tpu.memory_space<hbm>> -> memref<105x96xi32, #tpu.memory_space<hbm>>
      tpu.enqueue_dma source(%dma_start3A_22 : memref<105x96xi32, #tpu.memory_space<hbm>>) target(%arg10 : memref<105x96xi32, #tpu.memory_space<vmem>>) target_semaphore(%run_scoped3A : memref<!tpu.dma_semaphore, #tpu.memory_space<semaphore_mem>>)
      %dma_wait3A = arith.constant 0 : i32
      %dma_wait3A_23 = arith.constant 0 : i32
      %dma_wait3A_24 = tpu.memref_slice %arg3[%add3A, %dma_wait3A, %dma_wait3A_23] : memref<32x105x96xi32, #tpu.memory_space<hbm>> -> memref<1x105x96xi32, #tpu.memory_space<hbm>>
      %dma_wait3A_25 = tpu.memref_squeeze %dma_wait3A_24 : memref<1x105x96xi32, #tpu.memory_space<hbm>> -> memref<105x96xi32, #tpu.memory_space<hbm>>
      %dma_wait3A_26 = arith.constant 0 : i32
      %dma_wait3A_27 = arith.constant 0 : i32
      %dma_wait3A_28 = tpu.memref_slice %arg3[%add3A, %dma_wait3A_26, %dma_wait3A_27] : memref<32x105x96xi32, #tpu.memory_space<hbm>> -> memref<1x105x96xi32, #tpu.memory_space<hbm>>
      %dma_wait3A_29 = tpu.memref_squeeze %dma_wait3A_28 : memref<1x105x96xi32, #tpu.memory_space<hbm>> -> memref<105x96xi32, #tpu.memory_space<hbm>>
      tpu.wait_dma2 semaphore(%run_scoped3A : memref<!tpu.dma_semaphore, #tpu.memory_space<semaphore_mem>>) src(%dma_wait3A_29 : memref<105x96xi32, #tpu.memory_space<hbm>>) dst(%arg10 : memref<105x96xi32, #tpu.memory_space<vmem>>)
      tpu.yield
    }) : () -> ()
    "tpu.region"() ({
      %run_scoped3A = tpu.sem_alloc : memref<!tpu.dma_semaphore, #tpu.memory_space<semaphore_mem>>
      %dma_start3A_15 = arith.constant 0 : i32
      %dma_start3A_16 = arith.constant 0 : i32
      %dma_start3A_17 = tpu.memref_slice %arg4[%add3A, %dma_start3A_15, %dma_start3A_16] : memref<32x105x96xi32, #tpu.memory_space<hbm>> -> memref<1x105x96xi32, #tpu.memory_space<hbm>>
      %dma_start3A_18 = tpu.memref_squeeze %dma_start3A_17 : memref<1x105x96xi32, #tpu.memory_space<hbm>> -> memref<105x96xi32, #tpu.memory_space<hbm>>
      %dma_start3A_19 = arith.constant 0 : i32
      %dma_start3A_20 = arith.constant 0 : i32
      %dma_start3A_21 = tpu.memref_slice %arg4[%add3A, %dma_start3A_19, %dma_start3A_20] : memref<32x105x96xi32, #tpu.memory_space<hbm>> -> memref<1x105x96xi32, #tpu.memory_space<hbm>>
      %dma_start3A_22 = tpu.memref_squeeze %dma_start3A_21 : memref<1x105x96xi32, #tpu.memory_space<hbm>> -> memref<105x96xi32, #tpu.memory_space<hbm>>
      tpu.enqueue_dma source(%dma_start3A_22 : memref<105x96xi32, #tpu.memory_space<hbm>>) target(%arg11 : memref<105x96xi32, #tpu.memory_space<vmem>>) target_semaphore(%run_scoped3A : memref<!tpu.dma_semaphore, #tpu.memory_space<semaphore_mem>>)
      %dma_wait3A = arith.constant 0 : i32
      %dma_wait3A_23 = arith.constant 0 : i32
      %dma_wait3A_24 = tpu.memref_slice %arg4[%add3A, %dma_wait3A, %dma_wait3A_23] : memref<32x105x96xi32, #tpu.memory_space<hbm>> -> memref<1x105x96xi32, #tpu.memory_space<hbm>>
      %dma_wait3A_25 = tpu.memref_squeeze %dma_wait3A_24 : memref<1x105x96xi32, #tpu.memory_space<hbm>> -> memref<105x96xi32, #tpu.memory_space<hbm>>
      %dma_wait3A_26 = arith.constant 0 : i32
      %dma_wait3A_27 = arith.constant 0 : i32
      %dma_wait3A_28 = tpu.memref_slice %arg4[%add3A, %dma_wait3A_26, %dma_wait3A_27] : memref<32x105x96xi32, #tpu.memory_space<hbm>> -> memref<1x105x96xi32, #tpu.memory_space<hbm>>
      %dma_wait3A_29 = tpu.memref_squeeze %dma_wait3A_28 : memref<1x105x96xi32, #tpu.memory_space<hbm>> -> memref<105x96xi32, #tpu.memory_space<hbm>>
      tpu.wait_dma2 semaphore(%run_scoped3A : memref<!tpu.dma_semaphore, #tpu.memory_space<semaphore_mem>>) src(%dma_wait3A_29 : memref<105x96xi32, #tpu.memory_space<hbm>>) dst(%arg11 : memref<105x96xi32, #tpu.memory_space<vmem>>)
      tpu.yield
    }) : () -> ()
    "tpu.region"() ({
      %run_scoped3A = tpu.sem_alloc : memref<!tpu.dma_semaphore, #tpu.memory_space<semaphore_mem>>
      %dma_start3A_15 = arith.constant 0 : i32
      %dma_start3A_16 = tpu.memref_slice %arg18[%mul3A_2, %dma_start3A_15] : memref<10016x8xf32, #tpu.memory_space<vmem_shared>> -> memref<625x8xf32, #tpu.memory_space<vmem_shared>>
      %dma_start3A_17 = arith.constant 0 : i32
      %dma_start3A_18 = tpu.memref_slice %arg6[%mul3A_2, %dma_start3A_17] : memref<10000x8xf32, #tpu.memory_space<hbm>> -> memref<625x8xf32, #tpu.memory_space<hbm>>
      tpu.enqueue_dma source(%dma_start3A_18 : memref<625x8xf32, #tpu.memory_space<hbm>>) target(%dma_start3A_16 : memref<625x8xf32, #tpu.memory_space<vmem_shared>>) target_semaphore(%run_scoped3A : memref<!tpu.dma_semaphore, #tpu.memory_space<semaphore_mem>>)
      %dma_wait3A = arith.constant 0 : i32
      %dma_wait3A_19 = tpu.memref_slice %arg18[%mul3A_2, %dma_wait3A] : memref<10016x8xf32, #tpu.memory_space<vmem_shared>> -> memref<625x8xf32, #tpu.memory_space<vmem_shared>>
      %dma_wait3A_20 = arith.constant 0 : i32
      %dma_wait3A_21 = tpu.memref_slice %arg6[%mul3A_2, %dma_wait3A_20] : memref<10000x8xf32, #tpu.memory_space<hbm>> -> memref<625x8xf32, #tpu.memory_space<hbm>>
      tpu.wait_dma2 semaphore(%run_scoped3A : memref<!tpu.dma_semaphore, #tpu.memory_space<semaphore_mem>>) src(%dma_wait3A_21 : memref<625x8xf32, #tpu.memory_space<hbm>>) dst(%dma_wait3A_19 : memref<625x8xf32, #tpu.memory_space<vmem_shared>>)
      tpu.yield
    }) : () -> ()
    "tpu.region"() ({
      %run_scoped3A = tpu.sem_alloc : memref<!tpu.dma_semaphore, #tpu.memory_space<semaphore_mem>>
      tpu.enqueue_dma source(%arg7 : memref<96x8xf32, #tpu.memory_space<hbm>>) target(%arg17 : memref<96x8xf32, #tpu.memory_space<vmem>>) target_semaphore(%run_scoped3A : memref<!tpu.dma_semaphore, #tpu.memory_space<semaphore_mem>>)
      tpu.wait_dma2 semaphore(%run_scoped3A : memref<!tpu.dma_semaphore, #tpu.memory_space<semaphore_mem>>) src(%arg7 : memref<96x8xf32, #tpu.memory_space<hbm>>) dst(%arg17 : memref<96x8xf32, #tpu.memory_space<vmem>>)
      tpu.yield
    }) : () -> ()
    %barrier3A = arith.constant 0 : index
    tpu.barrier barrier_id(%barrier3A)
    %dma_start3A = arith.constant 0 : i32
    %dma_start3A_3 = arith.constant 0 : i32
    %dma_start3A_4 = tpu.memref_slice %arg10[%dma_start3A, %dma_start3A_3] : memref<105x96xi32, #tpu.memory_space<vmem>> -> memref<1x96xi32, #tpu.memory_space<vmem>>
    %dma_start3A_5 = tpu.memref_squeeze %dma_start3A_4 : memref<1x96xi32, #tpu.memory_space<vmem>> -> memref<96xi32, #tpu.memory_space<vmem>>
    %dma_start3A_6 = arith.constant 0 : i32
    %dma_start3A_7 = arith.constant 0 : i32
    %dma_start3A_8 = tpu.memref_slice %arg2[%dma_start3A_6, %dma_start3A_7] : memref<10000x128xbf16, #tpu.memory_space<hbm>> -> memref<10000x128xbf16, #tpu.memory_space<hbm>>
    tpu.enqueue_indirect_dma source(%dma_start3A_8 : memref<10000x128xbf16, #tpu.memory_space<hbm>>) target(%arg12 : memref<96x128xbf16, #tpu.memory_space<vmem>>) offsets(%dma_start3A_5 : memref<96xi32, #tpu.memory_space<vmem>>) semaphore(%arg15 : memref<!tpu.dma_semaphore, #tpu.memory_space<semaphore_mem>>)
    %scan3A = arith.constant 0 : i32
    %scan3A_9 = arith.constant 0 : i32
    %scan3A_10 = arith.constant 53 : i32
    %scan3A_11 = arith.addi %scan3A_9, %scan3A_10 : i32
    %scan3A_12 = arith.constant 1 : i32
    scf.for %scan3A_15 = %scan3A_9 to %scan3A_11 step %scan3A_12  : i32 {
      %mul3A_16 = arith.constant 2 : i32
      %mul3A_17 = arith.muli %mul3A_16, %scan3A_15 : i32
      %add3A_18 = arith.constant 1 : i32
      %add3A_19 = arith.addi %mul3A_17, %add3A_18 : i32
      %lt3A = arith.constant 105 : i32
      %lt3A_20 = arith.cmpi slt, %add3A_19, %lt3A : i32
      %convert_element_type3A = arith.extui %lt3A_20 : i1 to i32
      %cond3A = arith.constant 0 : i32
      %cond3A_21 = arith.cmpi ne, %convert_element_type3A, %cond3A : i32
      scf.if %cond3A_21 {
        %dma_start3A_39 = arith.constant 0 : i32
        %dma_start3A_40 = tpu.memref_slice %arg10[%add3A_19, %dma_start3A_39] : memref<105x96xi32, #tpu.memory_space<vmem>> -> memref<1x96xi32, #tpu.memory_space<vmem>>
        %dma_start3A_41 = tpu.memref_squeeze %dma_start3A_40 : memref<1x96xi32, #tpu.memory_space<vmem>> -> memref<96xi32, #tpu.memory_space<vmem>>
        %dma_start3A_42 = arith.constant 0 : i32
        %dma_start3A_43 = arith.constant 0 : i32
        %dma_start3A_44 = tpu.memref_slice %arg2[%dma_start3A_42, %dma_start3A_43] : memref<10000x128xbf16, #tpu.memory_space<hbm>> -> memref<10000x128xbf16, #tpu.memory_space<hbm>>
        tpu.enqueue_indirect_dma source(%dma_start3A_44 : memref<10000x128xbf16, #tpu.memory_space<hbm>>) target(%arg13 : memref<96x128xbf16, #tpu.memory_space<vmem>>) offsets(%dma_start3A_41 : memref<96xi32, #tpu.memory_space<vmem>>) semaphore(%arg16 : memref<!tpu.dma_semaphore, #tpu.memory_space<semaphore_mem>>)
      } else {
      }
      %dma_wait3A = arith.constant 0 : i32
      %dma_wait3A_22 = tpu.memref_slice %arg10[%mul3A_17, %dma_wait3A] : memref<105x96xi32, #tpu.memory_space<vmem>> -> memref<1x96xi32, #tpu.memory_space<vmem>>
      %dma_wait3A_23 = tpu.memref_squeeze %dma_wait3A_22 : memref<1x96xi32, #tpu.memory_space<vmem>> -> memref<96xi32, #tpu.memory_space<vmem>>
      %dma_wait3A_24 = arith.constant 0 : i32
      %dma_wait3A_25 = arith.constant 0 : i32
      %dma_wait3A_26 = tpu.memref_slice %arg2[%dma_wait3A_24, %dma_wait3A_25] : memref<10000x128xbf16, #tpu.memory_space<hbm>> -> memref<10000x128xbf16, #tpu.memory_space<hbm>>
      tpu.wait_indirect_dma semaphore(%arg15 : memref<!tpu.dma_semaphore, #tpu.memory_space<semaphore_mem>>) src(%dma_wait3A_26 : memref<10000x128xbf16, #tpu.memory_space<hbm>>) dst(%arg12 : memref<96x128xbf16, #tpu.memory_space<vmem>>)
      "tpu.region"() ({
        %run_scoped3A = tpu.sem_alloc : memref<!tpu.dma_semaphore, #tpu.memory_space<semaphore_mem>>
        %dma_start3A_39 = arith.constant 0 : i32
        %dma_start3A_40 = tpu.memref_slice %arg11[%mul3A_17, %dma_start3A_39] : memref<105x96xi32, #tpu.memory_space<vmem>> -> memref<1x96xi32, #tpu.memory_space<vmem>>
        %dma_start3A_41 = tpu.memref_squeeze %dma_start3A_40 : memref<1x96xi32, #tpu.memory_space<vmem>> -> memref<96xi32, #tpu.memory_space<vmem>>
        %dma_start3A_42 = arith.constant 0 : i32
        %dma_start3A_43 = arith.constant 0 : i32
        %dma_start3A_44 = tpu.memref_slice %arg14[%dma_start3A_42, %dma_start3A_43] : memref<10016x128xbf16, #tpu.memory_space<vmem_shared>> -> memref<10016x128xbf16, #tpu.memory_space<vmem_shared>>
        tpu.enqueue_indirect_dma source(%arg12 : memref<96x128xbf16, #tpu.memory_space<vmem>>) target(%dma_start3A_44 : memref<10016x128xbf16, #tpu.memory_space<vmem_shared>>) offsets(%dma_start3A_41 : memref<96xi32, #tpu.memory_space<vmem>>) semaphore(%run_scoped3A : memref<!tpu.dma_semaphore, #tpu.memory_space<semaphore_mem>>) {add = true}
        %dma_wait3A_45 = arith.constant 0 : i32
        %dma_wait3A_46 = tpu.memref_slice %arg11[%mul3A_17, %dma_wait3A_45] : memref<105x96xi32, #tpu.memory_space<vmem>> -> memref<1x96xi32, #tpu.memory_space<vmem>>
        %dma_wait3A_47 = tpu.memref_squeeze %dma_wait3A_46 : memref<1x96xi32, #tpu.memory_space<vmem>> -> memref<96xi32, #tpu.memory_space<vmem>>
        %dma_wait3A_48 = arith.constant 0 : i32
        %dma_wait3A_49 = arith.constant 0 : i32
        %dma_wait3A_50 = tpu.memref_slice %arg14[%dma_wait3A_48, %dma_wait3A_49] : memref<10016x128xbf16, #tpu.memory_space<vmem_shared>> -> memref<10016x128xbf16, #tpu.memory_space<vmem_shared>>
        tpu.wait_indirect_dma semaphore(%run_scoped3A : memref<!tpu.dma_semaphore, #tpu.memory_space<semaphore_mem>>) src(%arg12 : memref<96x128xbf16, #tpu.memory_space<vmem>>) dst(%dma_wait3A_50 : memref<10016x128xbf16, #tpu.memory_space<vmem_shared>>)
        tpu.yield
      }) : () -> ()
      "tpu.region"() ({
        %run_scoped3A = tpu.sem_alloc : memref<!tpu.dma_semaphore, #tpu.memory_space<semaphore_mem>>
        %dma_start3A_39 = arith.constant 0 : i32
        %dma_start3A_40 = tpu.memref_slice %arg11[%mul3A_17, %dma_start3A_39] : memref<105x96xi32, #tpu.memory_space<vmem>> -> memref<1x96xi32, #tpu.memory_space<vmem>>
        %dma_start3A_41 = tpu.memref_squeeze %dma_start3A_40 : memref<1x96xi32, #tpu.memory_space<vmem>> -> memref<96xi32, #tpu.memory_space<vmem>>
        %dma_start3A_42 = arith.constant 0 : i32
        %dma_start3A_43 = arith.constant 0 : i32
        %dma_start3A_44 = tpu.memref_slice %arg18[%dma_start3A_42, %dma_start3A_43] : memref<10016x8xf32, #tpu.memory_space<vmem_shared>> -> memref<10016x8xf32, #tpu.memory_space<vmem_shared>>
        tpu.enqueue_indirect_dma source(%arg17 : memref<96x8xf32, #tpu.memory_space<vmem>>) target(%dma_start3A_44 : memref<10016x8xf32, #tpu.memory_space<vmem_shared>>) offsets(%dma_start3A_41 : memref<96xi32, #tpu.memory_space<vmem>>) semaphore(%run_scoped3A : memref<!tpu.dma_semaphore, #tpu.memory_space<semaphore_mem>>) {add = true}
        %dma_wait3A_45 = arith.constant 0 : i32
        %dma_wait3A_46 = tpu.memref_slice %arg11[%mul3A_17, %dma_wait3A_45] : memref<105x96xi32, #tpu.memory_space<vmem>> -> memref<1x96xi32, #tpu.memory_space<vmem>>
        %dma_wait3A_47 = tpu.memref_squeeze %dma_wait3A_46 : memref<1x96xi32, #tpu.memory_space<vmem>> -> memref<96xi32, #tpu.memory_space<vmem>>
        %dma_wait3A_48 = arith.constant 0 : i32
        %dma_wait3A_49 = arith.constant 0 : i32
        %dma_wait3A_50 = tpu.memref_slice %arg18[%dma_wait3A_48, %dma_wait3A_49] : memref<10016x8xf32, #tpu.memory_space<vmem_shared>> -> memref<10016x8xf32, #tpu.memory_space<vmem_shared>>
        tpu.wait_indirect_dma semaphore(%run_scoped3A : memref<!tpu.dma_semaphore, #tpu.memory_space<semaphore_mem>>) src(%arg17 : memref<96x8xf32, #tpu.memory_space<vmem>>) dst(%dma_wait3A_50 : memref<10016x8xf32, #tpu.memory_space<vmem_shared>>)
        tpu.yield
      }) : () -> ()
      %add3A_27 = arith.constant 2 : i32
      %add3A_28 = arith.addi %mul3A_17, %add3A_27 : i32
      %lt3A_29 = arith.constant 105 : i32
      %lt3A_30 = arith.cmpi slt, %add3A_28, %lt3A_29 : i32
      %convert_element_type3A_31 = arith.extui %lt3A_30 : i1 to i32
      %cond3A_32 = arith.constant 0 : i32
      %cond3A_33 = arith.cmpi ne, %convert_element_type3A_31, %cond3A_32 : i32
      scf.if %cond3A_33 {
        %add3A_39 = arith.constant 2 : i32
        %add3A_40 = arith.addi %mul3A_17, %add3A_39 : i32
        %dma_start3A_41 = arith.constant 0 : i32
        %dma_start3A_42 = tpu.memref_slice %arg10[%add3A_40, %dma_start3A_41] : memref<105x96xi32, #tpu.memory_space<vmem>> -> memref<1x96xi32, #tpu.memory_space<vmem>>
        %dma_start3A_43 = tpu.memref_squeeze %dma_start3A_42 : memref<1x96xi32, #tpu.memory_space<vmem>> -> memref<96xi32, #tpu.memory_space<vmem>>
        %dma_start3A_44 = arith.constant 0 : i32
        %dma_start3A_45 = arith.constant 0 : i32
        %dma_start3A_46 = tpu.memref_slice %arg2[%dma_start3A_44, %dma_start3A_45] : memref<10000x128xbf16, #tpu.memory_space<hbm>> -> memref<10000x128xbf16, #tpu.memory_space<hbm>>
        tpu.enqueue_indirect_dma source(%dma_start3A_46 : memref<10000x128xbf16, #tpu.memory_space<hbm>>) target(%arg12 : memref<96x128xbf16, #tpu.memory_space<vmem>>) offsets(%dma_start3A_43 : memref<96xi32, #tpu.memory_space<vmem>>) semaphore(%arg15 : memref<!tpu.dma_semaphore, #tpu.memory_space<semaphore_mem>>)
      } else {
      }
      %lt3A_34 = arith.constant 105 : i32
      %lt3A_35 = arith.cmpi slt, %add3A_19, %lt3A_34 : i32
      %convert_element_type3A_36 = arith.extui %lt3A_35 : i1 to i32
      %cond3A_37 = arith.constant 0 : i32
      %cond3A_38 = arith.cmpi ne, %convert_element_type3A_36, %cond3A_37 : i32
      scf.if %cond3A_38 {
        %dma_wait3A_39 = arith.constant 0 : i32
        %dma_wait3A_40 = tpu.memref_slice %arg10[%add3A_19, %dma_wait3A_39] : memref<105x96xi32, #tpu.memory_space<vmem>> -> memref<1x96xi32, #tpu.memory_space<vmem>>
        %dma_wait3A_41 = tpu.memref_squeeze %dma_wait3A_40 : memref<1x96xi32, #tpu.memory_space<vmem>> -> memref<96xi32, #tpu.memory_space<vmem>>
        %dma_wait3A_42 = arith.constant 0 : i32
        %dma_wait3A_43 = arith.constant 0 : i32
        %dma_wait3A_44 = tpu.memref_slice %arg2[%dma_wait3A_42, %dma_wait3A_43] : memref<10000x128xbf16, #tpu.memory_space<hbm>> -> memref<10000x128xbf16, #tpu.memory_space<hbm>>
        tpu.wait_indirect_dma semaphore(%arg16 : memref<!tpu.dma_semaphore, #tpu.memory_space<semaphore_mem>>) src(%dma_wait3A_44 : memref<10000x128xbf16, #tpu.memory_space<hbm>>) dst(%arg13 : memref<96x128xbf16, #tpu.memory_space<vmem>>)
        "tpu.region"() ({
          %run_scoped3A = tpu.sem_alloc : memref<!tpu.dma_semaphore, #tpu.memory_space<semaphore_mem>>
          %dma_start3A_45 = arith.constant 0 : i32
          %dma_start3A_46 = tpu.memref_slice %arg11[%add3A_19, %dma_start3A_45] : memref<105x96xi32, #tpu.memory_space<vmem>> -> memref<1x96xi32, #tpu.memory_space<vmem>>
          %dma_start3A_47 = tpu.memref_squeeze %dma_start3A_46 : memref<1x96xi32, #tpu.memory_space<vmem>> -> memref<96xi32, #tpu.memory_space<vmem>>
          %dma_start3A_48 = arith.constant 0 : i32
          %dma_start3A_49 = arith.constant 0 : i32
          %dma_start3A_50 = tpu.memref_slice %arg14[%dma_start3A_48, %dma_start3A_49] : memref<10016x128xbf16, #tpu.memory_space<vmem_shared>> -> memref<10016x128xbf16, #tpu.memory_space<vmem_shared>>
          tpu.enqueue_indirect_dma source(%arg13 : memref<96x128xbf16, #tpu.memory_space<vmem>>) target(%dma_start3A_50 : memref<10016x128xbf16, #tpu.memory_space<vmem_shared>>) offsets(%dma_start3A_47 : memref<96xi32, #tpu.memory_space<vmem>>) semaphore(%run_scoped3A : memref<!tpu.dma_semaphore, #tpu.memory_space<semaphore_mem>>) {add = true}
          %dma_wait3A_51 = arith.constant 0 : i32
          %dma_wait3A_52 = tpu.memref_slice %arg11[%add3A_19, %dma_wait3A_51] : memref<105x96xi32, #tpu.memory_space<vmem>> -> memref<1x96xi32, #tpu.memory_space<vmem>>
          %dma_wait3A_53 = tpu.memref_squeeze %dma_wait3A_52 : memref<1x96xi32, #tpu.memory_space<vmem>> -> memref<96xi32, #tpu.memory_space<vmem>>
          %dma_wait3A_54 = arith.constant 0 : i32
          %dma_wait3A_55 = arith.constant 0 : i32
          %dma_wait3A_56 = tpu.memref_slice %arg14[%dma_wait3A_54, %dma_wait3A_55] : memref<10016x128xbf16, #tpu.memory_space<vmem_shared>> -> memref<10016x128xbf16, #tpu.memory_space<vmem_shared>>
          tpu.wait_indirect_dma semaphore(%run_scoped3A : memref<!tpu.dma_semaphore, #tpu.memory_space<semaphore_mem>>) src(%arg13 : memref<96x128xbf16, #tpu.memory_space<vmem>>) dst(%dma_wait3A_56 : memref<10016x128xbf16, #tpu.memory_space<vmem_shared>>)
          tpu.yield
        }) : () -> ()
        "tpu.region"() ({
          %run_scoped3A = tpu.sem_alloc : memref<!tpu.dma_semaphore, #tpu.memory_space<semaphore_mem>>
          %dma_start3A_45 = arith.constant 0 : i32
          %dma_start3A_46 = tpu.memref_slice %arg11[%add3A_19, %dma_start3A_45] : memref<105x96xi32, #tpu.memory_space<vmem>> -> memref<1x96xi32, #tpu.memory_space<vmem>>
          %dma_start3A_47 = tpu.memref_squeeze %dma_start3A_46 : memref<1x96xi32, #tpu.memory_space<vmem>> -> memref<96xi32, #tpu.memory_space<vmem>>
          %dma_start3A_48 = arith.constant 0 : i32
          %dma_start3A_49 = arith.constant 0 : i32
          %dma_start3A_50 = tpu.memref_slice %arg18[%dma_start3A_48, %dma_start3A_49] : memref<10016x8xf32, #tpu.memory_space<vmem_shared>> -> memref<10016x8xf32, #tpu.memory_space<vmem_shared>>
          tpu.enqueue_indirect_dma source(%arg17 : memref<96x8xf32, #tpu.memory_space<vmem>>) target(%dma_start3A_50 : memref<10016x8xf32, #tpu.memory_space<vmem_shared>>) offsets(%dma_start3A_47 : memref<96xi32, #tpu.memory_space<vmem>>) semaphore(%run_scoped3A : memref<!tpu.dma_semaphore, #tpu.memory_space<semaphore_mem>>) {add = true}
          %dma_wait3A_51 = arith.constant 0 : i32
          %dma_wait3A_52 = tpu.memref_slice %arg11[%add3A_19, %dma_wait3A_51] : memref<105x96xi32, #tpu.memory_space<vmem>> -> memref<1x96xi32, #tpu.memory_space<vmem>>
          %dma_wait3A_53 = tpu.memref_squeeze %dma_wait3A_52 : memref<1x96xi32, #tpu.memory_space<vmem>> -> memref<96xi32, #tpu.memory_space<vmem>>
          %dma_wait3A_54 = arith.constant 0 : i32
          %dma_wait3A_55 = arith.constant 0 : i32
          %dma_wait3A_56 = tpu.memref_slice %arg18[%dma_wait3A_54, %dma_wait3A_55] : memref<10016x8xf32, #tpu.memory_space<vmem_shared>> -> memref<10016x8xf32, #tpu.memory_space<vmem_shared>>
          tpu.wait_indirect_dma semaphore(%run_scoped3A : memref<!tpu.dma_semaphore, #tpu.memory_space<semaphore_mem>>) src(%arg17 : memref<96x8xf32, #tpu.memory_space<vmem>>) dst(%dma_wait3A_56 : memref<10016x8xf32, #tpu.memory_space<vmem_shared>>)
          tpu.yield
        }) : () -> ()
      } else {
      }
    }
    %scan3A_13 = arith.constant 53 : i32
    %barrier3A_14 = arith.constant 0 : index
    tpu.barrier barrier_id(%barrier3A_14)
    "tpu.region"() ({
      %run_scoped3A = tpu.sem_alloc : memref<!tpu.dma_semaphore, #tpu.memory_space<semaphore_mem>>
      %dma_start3A_15 = arith.constant 0 : i32
      %dma_start3A_16 = tpu.memref_slice %arg8[%arg0, %mul3A_2, %dma_start3A_15] : memref<2x10000x128xbf16, #tpu.memory_space<hbm>> -> memref<1x625x128xbf16, #tpu.memory_space<hbm>>
      %dma_start3A_17 = tpu.memref_squeeze %dma_start3A_16 : memref<1x625x128xbf16, #tpu.memory_space<hbm>> -> memref<625x128xbf16, #tpu.memory_space<hbm>>
      %dma_start3A_18 = arith.constant 0 : i32
      %dma_start3A_19 = tpu.memref_slice %arg14[%mul3A_2, %dma_start3A_18] : memref<10016x128xbf16, #tpu.memory_space<vmem_shared>> -> memref<625x128xbf16, #tpu.memory_space<vmem_shared>>
      tpu.enqueue_dma source(%dma_start3A_19 : memref<625x128xbf16, #tpu.memory_space<vmem_shared>>) target(%dma_start3A_17 : memref<625x128xbf16, #tpu.memory_space<hbm>>) target_semaphore(%run_scoped3A : memref<!tpu.dma_semaphore, #tpu.memory_space<semaphore_mem>>)
      %dma_wait3A = arith.constant 0 : i32
      %dma_wait3A_20 = tpu.memref_slice %arg8[%arg0, %mul3A_2, %dma_wait3A] : memref<2x10000x128xbf16, #tpu.memory_space<hbm>> -> memref<1x625x128xbf16, #tpu.memory_space<hbm>>
      %dma_wait3A_21 = tpu.memref_squeeze %dma_wait3A_20 : memref<1x625x128xbf16, #tpu.memory_space<hbm>> -> memref<625x128xbf16, #tpu.memory_space<hbm>>
      %dma_wait3A_22 = arith.constant 0 : i32
      %dma_wait3A_23 = tpu.memref_slice %arg14[%mul3A_2, %dma_wait3A_22] : memref<10016x128xbf16, #tpu.memory_space<vmem_shared>> -> memref<625x128xbf16, #tpu.memory_space<vmem_shared>>
      tpu.wait_dma2 semaphore(%run_scoped3A : memref<!tpu.dma_semaphore, #tpu.memory_space<semaphore_mem>>) src(%dma_wait3A_23 : memref<625x128xbf16, #tpu.memory_space<vmem_shared>>) dst(%dma_wait3A_21 : memref<625x128xbf16, #tpu.memory_space<hbm>>)
      tpu.yield
    }) : () -> ()
    "tpu.region"() ({
      %run_scoped3A = tpu.sem_alloc : memref<!tpu.dma_semaphore, #tpu.memory_space<semaphore_mem>>
      %dma_start3A_15 = arith.constant 0 : i32
      %dma_start3A_16 = tpu.memref_slice %arg9[%arg0, %mul3A_2, %dma_start3A_15] : memref<2x10000x8xf32, #tpu.memory_space<hbm>> -> memref<1x625x8xf32, #tpu.memory_space<hbm>>
      %dma_start3A_17 = tpu.memref_squeeze %dma_start3A_16 : memref<1x625x8xf32, #tpu.memory_space<hbm>> -> memref<625x8xf32, #tpu.memory_space<hbm>>
      %dma_start3A_18 = arith.constant 0 : i32
      %dma_start3A_19 = tpu.memref_slice %arg18[%mul3A_2, %dma_start3A_18] : memref<10016x8xf32, #tpu.memory_space<vmem_shared>> -> memref<625x8xf32, #tpu.memory_space<vmem_shared>>
      tpu.enqueue_dma source(%dma_start3A_19 : memref<625x8xf32, #tpu.memory_space<vmem_shared>>) target(%dma_start3A_17 : memref<625x8xf32, #tpu.memory_space<hbm>>) target_semaphore(%run_scoped3A : memref<!tpu.dma_semaphore, #tpu.memory_space<semaphore_mem>>)
      %dma_wait3A = arith.constant 0 : i32
      %dma_wait3A_20 = tpu.memref_slice %arg9[%arg0, %mul3A_2, %dma_wait3A] : memref<2x10000x8xf32, #tpu.memory_space<hbm>> -> memref<1x625x8xf32, #tpu.memory_space<hbm>>
      %dma_wait3A_21 = tpu.memref_squeeze %dma_wait3A_20 : memref<1x625x8xf32, #tpu.memory_space<hbm>> -> memref<625x8xf32, #tpu.memory_space<hbm>>
      %dma_wait3A_22 = arith.constant 0 : i32
      %dma_wait3A_23 = tpu.memref_slice %arg18[%mul3A_2, %dma_wait3A_22] : memref<10016x8xf32, #tpu.memory_space<vmem_shared>> -> memref<625x8xf32, #tpu.memory_space<vmem_shared>>
      tpu.wait_dma2 semaphore(%run_scoped3A : memref<!tpu.dma_semaphore, #tpu.memory_space<semaphore_mem>>) src(%dma_wait3A_23 : memref<625x8xf32, #tpu.memory_space<vmem_shared>>) dst(%dma_wait3A_21 : memref<625x8xf32, #tpu.memory_space<hbm>>)
      tpu.yield
    }) : () -> ()
    return
  }
}

#map = affine_map<(d0, d1) -> (0, 0)>
#map1 = affine_map<(d0, d1) -> (0, 0, 0)>
module attributes {stable_mosaic.version = 14 : i64} {
  func.func @agg(%arg0: i32, %arg1: i32, %arg2: memref<10000x128xbf16, #tpu.memory_space<hbm>>, %arg3: memref<32x105x96xi32, #tpu.memory_space<hbm>>, %arg4: memref<32x105x96xi32, #tpu.memory_space<hbm>>, %arg5: memref<10000x128xbf16, #tpu.memory_space<hbm>>, %arg6: memref<2x10000x128xbf16, #tpu.memory_space<hbm>>, %arg7: memref<105x96xi32, #tpu.memory_space<vmem>>, %arg8: memref<105x96xi32, #tpu.memory_space<vmem>>, %arg9: memref<96x128xbf16, #tpu.memory_space<vmem>>, %arg10: memref<96x128xbf16, #tpu.memory_space<vmem>>, %arg11: memref<10016x128xbf16, #tpu.memory_space<vmem_shared>>, %arg12: memref<!tpu.dma_semaphore, #tpu.memory_space<semaphore_mem>>, %arg13: memref<!tpu.dma_semaphore, #tpu.memory_space<semaphore_mem>>) attributes {dimension_semantics = [#tpu.dimension_semantics<core_parallel>, #tpu.dimension_semantics<subcore_parallel>], iteration_bounds = array<i64: 2, 16>, scalar_prefetch = 0 : i64, scratch_operands = 7 : i64, tpu.core_type = #tpu.core_type<sc_vector_subcore>, window_params = [{transform_indices = #map}, {transform_indices = #map1}, {transform_indices = #map1}, {transform_indices = #map}, {transform_indices = #map1}]} {
    %mul3A = arith.constant 2 : i32
    %mul3A_0 = arith.muli %arg1, %mul3A : i32
    %add3A = arith.addi %mul3A_0, %arg0 : i32
    %mul3A_1 = arith.constant 625 : i32
    %mul3A_2 = arith.muli %arg1, %mul3A_1 : i32
    "tpu.region"() ({
      %run_scoped3A = tpu.sem_alloc : memref<!tpu.dma_semaphore, #tpu.memory_space<semaphore_mem>>
      %dma_start3A_15 = arith.constant 0 : i32
      %dma_start3A_16 = tpu.memref_slice %arg11[%mul3A_2, %dma_start3A_15] : memref<10016x128xbf16, #tpu.memory_space<vmem_shared>> -> memref<625x128xbf16, #tpu.memory_space<vmem_shared>>
      %dma_start3A_17 = arith.constant 0 : i32
      %dma_start3A_18 = tpu.memref_slice %arg5[%mul3A_2, %dma_start3A_17] : memref<10000x128xbf16, #tpu.memory_space<hbm>> -> memref<625x128xbf16, #tpu.memory_space<hbm>>
      tpu.enqueue_dma source(%dma_start3A_18 : memref<625x128xbf16, #tpu.memory_space<hbm>>) target(%dma_start3A_16 : memref<625x128xbf16, #tpu.memory_space<vmem_shared>>) target_semaphore(%run_scoped3A : memref<!tpu.dma_semaphore, #tpu.memory_space<semaphore_mem>>)
      %dma_wait3A = arith.constant 0 : i32
      %dma_wait3A_19 = tpu.memref_slice %arg11[%mul3A_2, %dma_wait3A] : memref<10016x128xbf16, #tpu.memory_space<vmem_shared>> -> memref<625x128xbf16, #tpu.memory_space<vmem_shared>>
      %dma_wait3A_20 = arith.constant 0 : i32
      %dma_wait3A_21 = tpu.memref_slice %arg5[%mul3A_2, %dma_wait3A_20] : memref<10000x128xbf16, #tpu.memory_space<hbm>> -> memref<625x128xbf16, #tpu.memory_space<hbm>>
      tpu.wait_dma2 semaphore(%run_scoped3A : memref<!tpu.dma_semaphore, #tpu.memory_space<semaphore_mem>>) src(%dma_wait3A_21 : memref<625x128xbf16, #tpu.memory_space<hbm>>) dst(%dma_wait3A_19 : memref<625x128xbf16, #tpu.memory_space<vmem_shared>>)
      tpu.yield
    }) : () -> ()
    "tpu.region"() ({
      %run_scoped3A = tpu.sem_alloc : memref<!tpu.dma_semaphore, #tpu.memory_space<semaphore_mem>>
      %dma_start3A_15 = arith.constant 0 : i32
      %dma_start3A_16 = arith.constant 0 : i32
      %dma_start3A_17 = tpu.memref_slice %arg3[%add3A, %dma_start3A_15, %dma_start3A_16] : memref<32x105x96xi32, #tpu.memory_space<hbm>> -> memref<1x105x96xi32, #tpu.memory_space<hbm>>
      %dma_start3A_18 = tpu.memref_squeeze %dma_start3A_17 : memref<1x105x96xi32, #tpu.memory_space<hbm>> -> memref<105x96xi32, #tpu.memory_space<hbm>>
      %dma_start3A_19 = arith.constant 0 : i32
      %dma_start3A_20 = arith.constant 0 : i32
      %dma_start3A_21 = tpu.memref_slice %arg3[%add3A, %dma_start3A_19, %dma_start3A_20] : memref<32x105x96xi32, #tpu.memory_space<hbm>> -> memref<1x105x96xi32, #tpu.memory_space<hbm>>
      %dma_start3A_22 = tpu.memref_squeeze %dma_start3A_21 : memref<1x105x96xi32, #tpu.memory_space<hbm>> -> memref<105x96xi32, #tpu.memory_space<hbm>>
      tpu.enqueue_dma source(%dma_start3A_22 : memref<105x96xi32, #tpu.memory_space<hbm>>) target(%arg7 : memref<105x96xi32, #tpu.memory_space<vmem>>) target_semaphore(%run_scoped3A : memref<!tpu.dma_semaphore, #tpu.memory_space<semaphore_mem>>)
      %dma_wait3A = arith.constant 0 : i32
      %dma_wait3A_23 = arith.constant 0 : i32
      %dma_wait3A_24 = tpu.memref_slice %arg3[%add3A, %dma_wait3A, %dma_wait3A_23] : memref<32x105x96xi32, #tpu.memory_space<hbm>> -> memref<1x105x96xi32, #tpu.memory_space<hbm>>
      %dma_wait3A_25 = tpu.memref_squeeze %dma_wait3A_24 : memref<1x105x96xi32, #tpu.memory_space<hbm>> -> memref<105x96xi32, #tpu.memory_space<hbm>>
      %dma_wait3A_26 = arith.constant 0 : i32
      %dma_wait3A_27 = arith.constant 0 : i32
      %dma_wait3A_28 = tpu.memref_slice %arg3[%add3A, %dma_wait3A_26, %dma_wait3A_27] : memref<32x105x96xi32, #tpu.memory_space<hbm>> -> memref<1x105x96xi32, #tpu.memory_space<hbm>>
      %dma_wait3A_29 = tpu.memref_squeeze %dma_wait3A_28 : memref<1x105x96xi32, #tpu.memory_space<hbm>> -> memref<105x96xi32, #tpu.memory_space<hbm>>
      tpu.wait_dma2 semaphore(%run_scoped3A : memref<!tpu.dma_semaphore, #tpu.memory_space<semaphore_mem>>) src(%dma_wait3A_29 : memref<105x96xi32, #tpu.memory_space<hbm>>) dst(%arg7 : memref<105x96xi32, #tpu.memory_space<vmem>>)
      tpu.yield
    }) : () -> ()
    "tpu.region"() ({
      %run_scoped3A = tpu.sem_alloc : memref<!tpu.dma_semaphore, #tpu.memory_space<semaphore_mem>>
      %dma_start3A_15 = arith.constant 0 : i32
      %dma_start3A_16 = arith.constant 0 : i32
      %dma_start3A_17 = tpu.memref_slice %arg4[%add3A, %dma_start3A_15, %dma_start3A_16] : memref<32x105x96xi32, #tpu.memory_space<hbm>> -> memref<1x105x96xi32, #tpu.memory_space<hbm>>
      %dma_start3A_18 = tpu.memref_squeeze %dma_start3A_17 : memref<1x105x96xi32, #tpu.memory_space<hbm>> -> memref<105x96xi32, #tpu.memory_space<hbm>>
      %dma_start3A_19 = arith.constant 0 : i32
      %dma_start3A_20 = arith.constant 0 : i32
      %dma_start3A_21 = tpu.memref_slice %arg4[%add3A, %dma_start3A_19, %dma_start3A_20] : memref<32x105x96xi32, #tpu.memory_space<hbm>> -> memref<1x105x96xi32, #tpu.memory_space<hbm>>
      %dma_start3A_22 = tpu.memref_squeeze %dma_start3A_21 : memref<1x105x96xi32, #tpu.memory_space<hbm>> -> memref<105x96xi32, #tpu.memory_space<hbm>>
      tpu.enqueue_dma source(%dma_start3A_22 : memref<105x96xi32, #tpu.memory_space<hbm>>) target(%arg8 : memref<105x96xi32, #tpu.memory_space<vmem>>) target_semaphore(%run_scoped3A : memref<!tpu.dma_semaphore, #tpu.memory_space<semaphore_mem>>)
      %dma_wait3A = arith.constant 0 : i32
      %dma_wait3A_23 = arith.constant 0 : i32
      %dma_wait3A_24 = tpu.memref_slice %arg4[%add3A, %dma_wait3A, %dma_wait3A_23] : memref<32x105x96xi32, #tpu.memory_space<hbm>> -> memref<1x105x96xi32, #tpu.memory_space<hbm>>
      %dma_wait3A_25 = tpu.memref_squeeze %dma_wait3A_24 : memref<1x105x96xi32, #tpu.memory_space<hbm>> -> memref<105x96xi32, #tpu.memory_space<hbm>>
      %dma_wait3A_26 = arith.constant 0 : i32
      %dma_wait3A_27 = arith.constant 0 : i32
      %dma_wait3A_28 = tpu.memref_slice %arg4[%add3A, %dma_wait3A_26, %dma_wait3A_27] : memref<32x105x96xi32, #tpu.memory_space<hbm>> -> memref<1x105x96xi32, #tpu.memory_space<hbm>>
      %dma_wait3A_29 = tpu.memref_squeeze %dma_wait3A_28 : memref<1x105x96xi32, #tpu.memory_space<hbm>> -> memref<105x96xi32, #tpu.memory_space<hbm>>
      tpu.wait_dma2 semaphore(%run_scoped3A : memref<!tpu.dma_semaphore, #tpu.memory_space<semaphore_mem>>) src(%dma_wait3A_29 : memref<105x96xi32, #tpu.memory_space<hbm>>) dst(%arg8 : memref<105x96xi32, #tpu.memory_space<vmem>>)
      tpu.yield
    }) : () -> ()
    %barrier3A = arith.constant 0 : index
    tpu.barrier barrier_id(%barrier3A)
    %dma_start3A = arith.constant 0 : i32
    %dma_start3A_3 = arith.constant 0 : i32
    %dma_start3A_4 = tpu.memref_slice %arg7[%dma_start3A, %dma_start3A_3] : memref<105x96xi32, #tpu.memory_space<vmem>> -> memref<1x96xi32, #tpu.memory_space<vmem>>
    %dma_start3A_5 = tpu.memref_squeeze %dma_start3A_4 : memref<1x96xi32, #tpu.memory_space<vmem>> -> memref<96xi32, #tpu.memory_space<vmem>>
    %dma_start3A_6 = arith.constant 0 : i32
    %dma_start3A_7 = arith.constant 0 : i32
    %dma_start3A_8 = tpu.memref_slice %arg2[%dma_start3A_6, %dma_start3A_7] : memref<10000x128xbf16, #tpu.memory_space<hbm>> -> memref<10000x128xbf16, #tpu.memory_space<hbm>>
    tpu.enqueue_indirect_dma source(%dma_start3A_8 : memref<10000x128xbf16, #tpu.memory_space<hbm>>) target(%arg9 : memref<96x128xbf16, #tpu.memory_space<vmem>>) offsets(%dma_start3A_5 : memref<96xi32, #tpu.memory_space<vmem>>) semaphore(%arg12 : memref<!tpu.dma_semaphore, #tpu.memory_space<semaphore_mem>>)
    %scan3A = arith.constant 0 : i32
    %scan3A_9 = arith.constant 0 : i32
    %scan3A_10 = arith.constant 53 : i32
    %scan3A_11 = arith.addi %scan3A_9, %scan3A_10 : i32
    %scan3A_12 = arith.constant 1 : i32
    scf.for %scan3A_15 = %scan3A_9 to %scan3A_11 step %scan3A_12  : i32 {
      %mul3A_16 = arith.constant 2 : i32
      %mul3A_17 = arith.muli %mul3A_16, %scan3A_15 : i32
      %add3A_18 = arith.constant 1 : i32
      %add3A_19 = arith.addi %mul3A_17, %add3A_18 : i32
      %lt3A = arith.constant 105 : i32
      %lt3A_20 = arith.cmpi slt, %add3A_19, %lt3A : i32
      %convert_element_type3A = arith.extui %lt3A_20 : i1 to i32
      %cond3A = arith.constant 0 : i32
      %cond3A_21 = arith.cmpi ne, %convert_element_type3A, %cond3A : i32
      scf.if %cond3A_21 {
        %dma_start3A_39 = arith.constant 0 : i32
        %dma_start3A_40 = tpu.memref_slice %arg7[%add3A_19, %dma_start3A_39] : memref<105x96xi32, #tpu.memory_space<vmem>> -> memref<1x96xi32, #tpu.memory_space<vmem>>
        %dma_start3A_41 = tpu.memref_squeeze %dma_start3A_40 : memref<1x96xi32, #tpu.memory_space<vmem>> -> memref<96xi32, #tpu.memory_space<vmem>>
        %dma_start3A_42 = arith.constant 0 : i32
        %dma_start3A_43 = arith.constant 0 : i32
        %dma_start3A_44 = tpu.memref_slice %arg2[%dma_start3A_42, %dma_start3A_43] : memref<10000x128xbf16, #tpu.memory_space<hbm>> -> memref<10000x128xbf16, #tpu.memory_space<hbm>>
        tpu.enqueue_indirect_dma source(%dma_start3A_44 : memref<10000x128xbf16, #tpu.memory_space<hbm>>) target(%arg10 : memref<96x128xbf16, #tpu.memory_space<vmem>>) offsets(%dma_start3A_41 : memref<96xi32, #tpu.memory_space<vmem>>) semaphore(%arg13 : memref<!tpu.dma_semaphore, #tpu.memory_space<semaphore_mem>>)
      } else {
      }
      %dma_wait3A = arith.constant 0 : i32
      %dma_wait3A_22 = tpu.memref_slice %arg7[%mul3A_17, %dma_wait3A] : memref<105x96xi32, #tpu.memory_space<vmem>> -> memref<1x96xi32, #tpu.memory_space<vmem>>
      %dma_wait3A_23 = tpu.memref_squeeze %dma_wait3A_22 : memref<1x96xi32, #tpu.memory_space<vmem>> -> memref<96xi32, #tpu.memory_space<vmem>>
      %dma_wait3A_24 = arith.constant 0 : i32
      %dma_wait3A_25 = arith.constant 0 : i32
      %dma_wait3A_26 = tpu.memref_slice %arg2[%dma_wait3A_24, %dma_wait3A_25] : memref<10000x128xbf16, #tpu.memory_space<hbm>> -> memref<10000x128xbf16, #tpu.memory_space<hbm>>
      tpu.wait_indirect_dma semaphore(%arg12 : memref<!tpu.dma_semaphore, #tpu.memory_space<semaphore_mem>>) src(%dma_wait3A_26 : memref<10000x128xbf16, #tpu.memory_space<hbm>>) dst(%arg9 : memref<96x128xbf16, #tpu.memory_space<vmem>>)
      "tpu.region"() ({
        %run_scoped3A = tpu.sem_alloc : memref<!tpu.dma_semaphore, #tpu.memory_space<semaphore_mem>>
        %dma_start3A_39 = arith.constant 0 : i32
        %dma_start3A_40 = tpu.memref_slice %arg8[%mul3A_17, %dma_start3A_39] : memref<105x96xi32, #tpu.memory_space<vmem>> -> memref<1x96xi32, #tpu.memory_space<vmem>>
        %dma_start3A_41 = tpu.memref_squeeze %dma_start3A_40 : memref<1x96xi32, #tpu.memory_space<vmem>> -> memref<96xi32, #tpu.memory_space<vmem>>
        %dma_start3A_42 = arith.constant 0 : i32
        %dma_start3A_43 = arith.constant 0 : i32
        %dma_start3A_44 = tpu.memref_slice %arg11[%dma_start3A_42, %dma_start3A_43] : memref<10016x128xbf16, #tpu.memory_space<vmem_shared>> -> memref<10016x128xbf16, #tpu.memory_space<vmem_shared>>
        tpu.enqueue_indirect_dma source(%arg9 : memref<96x128xbf16, #tpu.memory_space<vmem>>) target(%dma_start3A_44 : memref<10016x128xbf16, #tpu.memory_space<vmem_shared>>) offsets(%dma_start3A_41 : memref<96xi32, #tpu.memory_space<vmem>>) semaphore(%run_scoped3A : memref<!tpu.dma_semaphore, #tpu.memory_space<semaphore_mem>>) {add = true}
        %dma_wait3A_45 = arith.constant 0 : i32
        %dma_wait3A_46 = tpu.memref_slice %arg8[%mul3A_17, %dma_wait3A_45] : memref<105x96xi32, #tpu.memory_space<vmem>> -> memref<1x96xi32, #tpu.memory_space<vmem>>
        %dma_wait3A_47 = tpu.memref_squeeze %dma_wait3A_46 : memref<1x96xi32, #tpu.memory_space<vmem>> -> memref<96xi32, #tpu.memory_space<vmem>>
        %dma_wait3A_48 = arith.constant 0 : i32
        %dma_wait3A_49 = arith.constant 0 : i32
        %dma_wait3A_50 = tpu.memref_slice %arg11[%dma_wait3A_48, %dma_wait3A_49] : memref<10016x128xbf16, #tpu.memory_space<vmem_shared>> -> memref<10016x128xbf16, #tpu.memory_space<vmem_shared>>
        tpu.wait_indirect_dma semaphore(%run_scoped3A : memref<!tpu.dma_semaphore, #tpu.memory_space<semaphore_mem>>) src(%arg9 : memref<96x128xbf16, #tpu.memory_space<vmem>>) dst(%dma_wait3A_50 : memref<10016x128xbf16, #tpu.memory_space<vmem_shared>>)
        tpu.yield
      }) : () -> ()
      %add3A_27 = arith.constant 2 : i32
      %add3A_28 = arith.addi %mul3A_17, %add3A_27 : i32
      %lt3A_29 = arith.constant 105 : i32
      %lt3A_30 = arith.cmpi slt, %add3A_28, %lt3A_29 : i32
      %convert_element_type3A_31 = arith.extui %lt3A_30 : i1 to i32
      %cond3A_32 = arith.constant 0 : i32
      %cond3A_33 = arith.cmpi ne, %convert_element_type3A_31, %cond3A_32 : i32
      scf.if %cond3A_33 {
        %add3A_39 = arith.constant 2 : i32
        %add3A_40 = arith.addi %mul3A_17, %add3A_39 : i32
        %dma_start3A_41 = arith.constant 0 : i32
        %dma_start3A_42 = tpu.memref_slice %arg7[%add3A_40, %dma_start3A_41] : memref<105x96xi32, #tpu.memory_space<vmem>> -> memref<1x96xi32, #tpu.memory_space<vmem>>
        %dma_start3A_43 = tpu.memref_squeeze %dma_start3A_42 : memref<1x96xi32, #tpu.memory_space<vmem>> -> memref<96xi32, #tpu.memory_space<vmem>>
        %dma_start3A_44 = arith.constant 0 : i32
        %dma_start3A_45 = arith.constant 0 : i32
        %dma_start3A_46 = tpu.memref_slice %arg2[%dma_start3A_44, %dma_start3A_45] : memref<10000x128xbf16, #tpu.memory_space<hbm>> -> memref<10000x128xbf16, #tpu.memory_space<hbm>>
        tpu.enqueue_indirect_dma source(%dma_start3A_46 : memref<10000x128xbf16, #tpu.memory_space<hbm>>) target(%arg9 : memref<96x128xbf16, #tpu.memory_space<vmem>>) offsets(%dma_start3A_43 : memref<96xi32, #tpu.memory_space<vmem>>) semaphore(%arg12 : memref<!tpu.dma_semaphore, #tpu.memory_space<semaphore_mem>>)
      } else {
      }
      %lt3A_34 = arith.constant 105 : i32
      %lt3A_35 = arith.cmpi slt, %add3A_19, %lt3A_34 : i32
      %convert_element_type3A_36 = arith.extui %lt3A_35 : i1 to i32
      %cond3A_37 = arith.constant 0 : i32
      %cond3A_38 = arith.cmpi ne, %convert_element_type3A_36, %cond3A_37 : i32
      scf.if %cond3A_38 {
        %dma_wait3A_39 = arith.constant 0 : i32
        %dma_wait3A_40 = tpu.memref_slice %arg7[%add3A_19, %dma_wait3A_39] : memref<105x96xi32, #tpu.memory_space<vmem>> -> memref<1x96xi32, #tpu.memory_space<vmem>>
        %dma_wait3A_41 = tpu.memref_squeeze %dma_wait3A_40 : memref<1x96xi32, #tpu.memory_space<vmem>> -> memref<96xi32, #tpu.memory_space<vmem>>
        %dma_wait3A_42 = arith.constant 0 : i32
        %dma_wait3A_43 = arith.constant 0 : i32
        %dma_wait3A_44 = tpu.memref_slice %arg2[%dma_wait3A_42, %dma_wait3A_43] : memref<10000x128xbf16, #tpu.memory_space<hbm>> -> memref<10000x128xbf16, #tpu.memory_space<hbm>>
        tpu.wait_indirect_dma semaphore(%arg13 : memref<!tpu.dma_semaphore, #tpu.memory_space<semaphore_mem>>) src(%dma_wait3A_44 : memref<10000x128xbf16, #tpu.memory_space<hbm>>) dst(%arg10 : memref<96x128xbf16, #tpu.memory_space<vmem>>)
        "tpu.region"() ({
          %run_scoped3A = tpu.sem_alloc : memref<!tpu.dma_semaphore, #tpu.memory_space<semaphore_mem>>
          %dma_start3A_45 = arith.constant 0 : i32
          %dma_start3A_46 = tpu.memref_slice %arg8[%add3A_19, %dma_start3A_45] : memref<105x96xi32, #tpu.memory_space<vmem>> -> memref<1x96xi32, #tpu.memory_space<vmem>>
          %dma_start3A_47 = tpu.memref_squeeze %dma_start3A_46 : memref<1x96xi32, #tpu.memory_space<vmem>> -> memref<96xi32, #tpu.memory_space<vmem>>
          %dma_start3A_48 = arith.constant 0 : i32
          %dma_start3A_49 = arith.constant 0 : i32
          %dma_start3A_50 = tpu.memref_slice %arg11[%dma_start3A_48, %dma_start3A_49] : memref<10016x128xbf16, #tpu.memory_space<vmem_shared>> -> memref<10016x128xbf16, #tpu.memory_space<vmem_shared>>
          tpu.enqueue_indirect_dma source(%arg10 : memref<96x128xbf16, #tpu.memory_space<vmem>>) target(%dma_start3A_50 : memref<10016x128xbf16, #tpu.memory_space<vmem_shared>>) offsets(%dma_start3A_47 : memref<96xi32, #tpu.memory_space<vmem>>) semaphore(%run_scoped3A : memref<!tpu.dma_semaphore, #tpu.memory_space<semaphore_mem>>) {add = true}
          %dma_wait3A_51 = arith.constant 0 : i32
          %dma_wait3A_52 = tpu.memref_slice %arg8[%add3A_19, %dma_wait3A_51] : memref<105x96xi32, #tpu.memory_space<vmem>> -> memref<1x96xi32, #tpu.memory_space<vmem>>
          %dma_wait3A_53 = tpu.memref_squeeze %dma_wait3A_52 : memref<1x96xi32, #tpu.memory_space<vmem>> -> memref<96xi32, #tpu.memory_space<vmem>>
          %dma_wait3A_54 = arith.constant 0 : i32
          %dma_wait3A_55 = arith.constant 0 : i32
          %dma_wait3A_56 = tpu.memref_slice %arg11[%dma_wait3A_54, %dma_wait3A_55] : memref<10016x128xbf16, #tpu.memory_space<vmem_shared>> -> memref<10016x128xbf16, #tpu.memory_space<vmem_shared>>
          tpu.wait_indirect_dma semaphore(%run_scoped3A : memref<!tpu.dma_semaphore, #tpu.memory_space<semaphore_mem>>) src(%arg10 : memref<96x128xbf16, #tpu.memory_space<vmem>>) dst(%dma_wait3A_56 : memref<10016x128xbf16, #tpu.memory_space<vmem_shared>>)
          tpu.yield
        }) : () -> ()
      } else {
      }
    }
    %scan3A_13 = arith.constant 53 : i32
    %barrier3A_14 = arith.constant 0 : index
    tpu.barrier barrier_id(%barrier3A_14)
    "tpu.region"() ({
      %run_scoped3A = tpu.sem_alloc : memref<!tpu.dma_semaphore, #tpu.memory_space<semaphore_mem>>
      %dma_start3A_15 = arith.constant 0 : i32
      %dma_start3A_16 = tpu.memref_slice %arg6[%arg0, %mul3A_2, %dma_start3A_15] : memref<2x10000x128xbf16, #tpu.memory_space<hbm>> -> memref<1x625x128xbf16, #tpu.memory_space<hbm>>
      %dma_start3A_17 = tpu.memref_squeeze %dma_start3A_16 : memref<1x625x128xbf16, #tpu.memory_space<hbm>> -> memref<625x128xbf16, #tpu.memory_space<hbm>>
      %dma_start3A_18 = arith.constant 0 : i32
      %dma_start3A_19 = tpu.memref_slice %arg11[%mul3A_2, %dma_start3A_18] : memref<10016x128xbf16, #tpu.memory_space<vmem_shared>> -> memref<625x128xbf16, #tpu.memory_space<vmem_shared>>
      tpu.enqueue_dma source(%dma_start3A_19 : memref<625x128xbf16, #tpu.memory_space<vmem_shared>>) target(%dma_start3A_17 : memref<625x128xbf16, #tpu.memory_space<hbm>>) target_semaphore(%run_scoped3A : memref<!tpu.dma_semaphore, #tpu.memory_space<semaphore_mem>>)
      %dma_wait3A = arith.constant 0 : i32
      %dma_wait3A_20 = tpu.memref_slice %arg6[%arg0, %mul3A_2, %dma_wait3A] : memref<2x10000x128xbf16, #tpu.memory_space<hbm>> -> memref<1x625x128xbf16, #tpu.memory_space<hbm>>
      %dma_wait3A_21 = tpu.memref_squeeze %dma_wait3A_20 : memref<1x625x128xbf16, #tpu.memory_space<hbm>> -> memref<625x128xbf16, #tpu.memory_space<hbm>>
      %dma_wait3A_22 = arith.constant 0 : i32
      %dma_wait3A_23 = tpu.memref_slice %arg11[%mul3A_2, %dma_wait3A_22] : memref<10016x128xbf16, #tpu.memory_space<vmem_shared>> -> memref<625x128xbf16, #tpu.memory_space<vmem_shared>>
      tpu.wait_dma2 semaphore(%run_scoped3A : memref<!tpu.dma_semaphore, #tpu.memory_space<semaphore_mem>>) src(%dma_wait3A_23 : memref<625x128xbf16, #tpu.memory_space<vmem_shared>>) dst(%dma_wait3A_21 : memref<625x128xbf16, #tpu.memory_space<hbm>>)
      tpu.yield
    }) : () -> ()
    return
  }
}

module attributes {stable_mosaic.version = 14 : i64} {
  func.func @body(%arg0: i32, %arg1: memref<1000x128xf32, #tpu.memory_space<vmem>>, %arg2: memref<2x1000x128xbf16, #tpu.memory_space<vmem>>, %arg3: memref<2x1000x8xf32, #tpu.memory_space<vmem>>, %arg4: memref<128x150xf32, #tpu.memory_space<vmem>>, %arg5: memref<128x150xf32, #tpu.memory_space<vmem>>, %arg6: memref<1x150xf32, #tpu.memory_space<vmem>>, %arg7: memref<150x128xf32, #tpu.memory_space<vmem>>, %arg8: memref<150x128xf32, #tpu.memory_space<vmem>>, %arg9: memref<1x128xf32, #tpu.memory_space<vmem>>, %arg10: memref<1000x128xbf16, #tpu.memory_space<vmem>>, %arg11: memref<1000x128xf32, #tpu.memory_space<vmem>>) attributes {dimension_semantics = [#tpu.dimension_semantics<arbitrary>], iteration_bounds = array<i64: 10>, scalar_prefetch = 0 : i64, scratch_operands = 0 : i64, tpu.core_type = #tpu.core_type<tc>, window_params = [{transform_indices = @transform_0, window_bounds = array<i64: 1000, 128>}, {transform_indices = @transform_1, window_bounds = array<i64: 2, 1000, 128>}, {transform_indices = @transform_2, window_bounds = array<i64: 2, 1000, 8>}, {pipeline_mode = #tpu.pipeline_mode<synchronous>, transform_indices = @transform_3, window_bounds = array<i64: 128, 150>}, {pipeline_mode = #tpu.pipeline_mode<synchronous>, transform_indices = @transform_4, window_bounds = array<i64: 128, 150>}, {pipeline_mode = #tpu.pipeline_mode<synchronous>, transform_indices = @transform_5, window_bounds = array<i64: 1, 150>}, {pipeline_mode = #tpu.pipeline_mode<synchronous>, transform_indices = @transform_6, window_bounds = array<i64: 150, 128>}, {pipeline_mode = #tpu.pipeline_mode<synchronous>, transform_indices = @transform_7, window_bounds = array<i64: 150, 128>}, {pipeline_mode = #tpu.pipeline_mode<synchronous>, transform_indices = @transform_8, window_bounds = array<i64: 1, 128>}, {transform_indices = @transform_9, window_bounds = array<i64: 1000, 128>}, {transform_indices = @transform_10, window_bounds = array<i64: 1000, 128>}]} {
    %get3A = arith.constant 0 : index
    %get3A_0 = arith.constant 0 : index
    %get3A_1 = arith.constant 0 : index
    %get3A_2 = vector.load %arg2[%get3A, %get3A_0, %get3A_1] : memref<2x1000x128xbf16, #tpu.memory_space<vmem>>, vector<1x1000x128xbf16>
    %get3A_3 = vector.shape_cast %get3A_2 : vector<1x1000x128xbf16> to vector<1000x128xbf16>
    %convert_element_type3A = arith.extf %get3A_3 : vector<1000x128xbf16> to vector<1000x128xf32>
    %get3A_4 = arith.constant 1 : index
    %get3A_5 = arith.constant 0 : index
    %get3A_6 = arith.constant 0 : index
    %get3A_7 = vector.load %arg2[%get3A_4, %get3A_5, %get3A_6] : memref<2x1000x128xbf16, #tpu.memory_space<vmem>>, vector<1x1000x128xbf16>
    %get3A_8 = vector.shape_cast %get3A_7 : vector<1x1000x128xbf16> to vector<1000x128xbf16>
    %convert_element_type3A_9 = arith.extf %get3A_8 : vector<1000x128xbf16> to vector<1000x128xf32>
    %add3A = arith.addf %convert_element_type3A, %convert_element_type3A_9 : vector<1000x128xf32>
    %get3A_10 = arith.constant 0 : index
    %get3A_11 = arith.constant 0 : index
    %get3A_12 = arith.constant 0 : index
    %get3A_13 = vector.load %arg3[%get3A_10, %get3A_11, %get3A_12] : memref<2x1000x8xf32, #tpu.memory_space<vmem>>, vector<1x1000x1xf32>
    %get3A_14 = vector.shape_cast %get3A_13 : vector<1x1000x1xf32> to vector<1000x1xf32>
    %get3A_15 = arith.constant 1 : index
    %get3A_16 = arith.constant 0 : index
    %get3A_17 = arith.constant 0 : index
    %get3A_18 = vector.load %arg3[%get3A_15, %get3A_16, %get3A_17] : memref<2x1000x8xf32, #tpu.memory_space<vmem>>, vector<1x1000x1xf32>
    %get3A_19 = vector.shape_cast %get3A_18 : vector<1x1000x1xf32> to vector<1000x1xf32>
    %add3A_20 = arith.addf %get3A_14, %get3A_19 : vector<1000x1xf32>
    %max3A = arith.constant 1.000000e+00 : f32
    %max3A_21 = vector.broadcast %max3A : f32 to vector<1000x1xf32>
    %max3A_22 = arith.maximumf %add3A_20, %max3A_21 : vector<1000x1xf32>
    %div3A = arith.constant 1.000000e+00 : f32
    %div3A_23 = vector.broadcast %div3A : f32 to vector<1000x1xf32>
    %div3A_24 = arith.divf %div3A_23, %max3A_22 : vector<1000x1xf32>
    %mul3A = vector.broadcast %div3A_24 : vector<1000x1xf32> to vector<1000x128xf32>
    %mul3A_25 = arith.mulf %add3A, %mul3A : vector<1000x128xf32>
    %get3A_26 = arith.constant 0 : index
    %get3A_27 = arith.constant 0 : index
    %get3A_28 = vector.load %arg1[%get3A_26, %get3A_27] : memref<1000x128xf32, #tpu.memory_space<vmem>>, vector<1000x128xf32>
    %get3A_29 = arith.constant 0 : index
    %get3A_30 = arith.constant 0 : index
    %get3A_31 = vector.load %arg4[%get3A_29, %get3A_30] : memref<128x150xf32, #tpu.memory_space<vmem>>, vector<128x150xf32>
    %dot_general3A = arith.constant dense<0.000000e+00> : vector<1000x150xf32>
    %dot_general3A_32 = tpu.matmul %get3A_28, %get3A_31, %dot_general3A {dimension_numbers = #tpu.dot_dimension_numbers<[1], [0], [0], [1], [0, 0, 1, 1], [], []>, transpose_lhs_hint = false} : vector<1000x128xf32>, vector<128x150xf32>, vector<1000x150xf32> -> vector<1000x150xf32>
    %get3A_33 = arith.constant 0 : index
    %get3A_34 = arith.constant 0 : index
    %get3A_35 = vector.load %arg5[%get3A_33, %get3A_34] : memref<128x150xf32, #tpu.memory_space<vmem>>, vector<128x150xf32>
    %dot_general3A_36 = arith.constant dense<0.000000e+00> : vector<1000x150xf32>
    %dot_general3A_37 = tpu.matmul %mul3A_25, %get3A_35, %dot_general3A_36 {dimension_numbers = #tpu.dot_dimension_numbers<[1], [0], [0], [1], [0, 0, 1, 1], [], []>, transpose_lhs_hint = false} : vector<1000x128xf32>, vector<128x150xf32>, vector<1000x150xf32> -> vector<1000x150xf32>
    %add3A_38 = arith.addf %dot_general3A_32, %dot_general3A_37 : vector<1000x150xf32>
    %get3A_39 = arith.constant 0 : index
    %get3A_40 = arith.constant 0 : index
    %get3A_41 = vector.load %arg6[%get3A_39, %get3A_40] : memref<1x150xf32, #tpu.memory_space<vmem>>, vector<1x150xf32>
    %add3A_42 = vector.broadcast %get3A_41 : vector<1x150xf32> to vector<1000x150xf32>
    %add3A_43 = arith.addf %add3A_38, %add3A_42 : vector<1000x150xf32>
    %max3A_44 = arith.constant 0.000000e+00 : f32
    %max3A_45 = vector.broadcast %max3A_44 : f32 to vector<1000x150xf32>
    %max3A_46 = arith.maximumf %add3A_43, %max3A_45 : vector<1000x150xf32>
    %get3A_47 = arith.constant 0 : index
    %get3A_48 = arith.constant 0 : index
    %get3A_49 = vector.load %arg8[%get3A_47, %get3A_48] : memref<150x128xf32, #tpu.memory_space<vmem>>, vector<150x128xf32>
    %dot_general3A_50 = arith.constant dense<0.000000e+00> : vector<1000x128xf32>
    %dot_general3A_51 = tpu.matmul %max3A_46, %get3A_49, %dot_general3A_50 {dimension_numbers = #tpu.dot_dimension_numbers<[1], [0], [0], [1], [0, 0, 1, 1], [], []>, transpose_lhs_hint = false} : vector<1000x150xf32>, vector<150x128xf32>, vector<1000x128xf32> -> vector<1000x128xf32>
    %convert_element_type3A_52 = arith.truncf %dot_general3A_51 : vector<1000x128xf32> to vector<1000x128xbf16>
    %swap3A = arith.constant 0 : index
    %swap3A_53 = arith.constant 0 : index
    %swap3A_54 = vector.load %arg10[%swap3A, %swap3A_53] : memref<1000x128xbf16, #tpu.memory_space<vmem>>, vector<1000x128xbf16>
    tpu.vector_store %arg10[%swap3A, %swap3A_53], %convert_element_type3A_52 {strides = array<i32>} : memref<1000x128xbf16, #tpu.memory_space<vmem>>, vector<1000x128xbf16>,
    %get3A_55 = arith.constant 0 : index
    %get3A_56 = arith.constant 0 : index
    %get3A_57 = vector.load %arg7[%get3A_55, %get3A_56] : memref<150x128xf32, #tpu.memory_space<vmem>>, vector<150x128xf32>
    %dot_general3A_58 = arith.constant dense<0.000000e+00> : vector<1000x128xf32>
    %dot_general3A_59 = tpu.matmul %max3A_46, %get3A_57, %dot_general3A_58 {dimension_numbers = #tpu.dot_dimension_numbers<[1], [0], [0], [1], [0, 0, 1, 1], [], []>, transpose_lhs_hint = false} : vector<1000x150xf32>, vector<150x128xf32>, vector<1000x128xf32> -> vector<1000x128xf32>
    %get3A_60 = arith.constant 0 : index
    %get3A_61 = arith.constant 0 : index
    %get3A_62 = vector.load %arg9[%get3A_60, %get3A_61] : memref<1x128xf32, #tpu.memory_space<vmem>>, vector<1x128xf32>
    %add3A_63 = vector.broadcast %get3A_62 : vector<1x128xf32> to vector<1000x128xf32>
    %add3A_64 = arith.addf %dot_general3A_59, %add3A_63 : vector<1000x128xf32>
    %swap3A_65 = arith.constant 0 : index
    %swap3A_66 = arith.constant 0 : index
    %swap3A_67 = vector.load %arg11[%swap3A_65, %swap3A_66] : memref<1000x128xf32, #tpu.memory_space<vmem>>, vector<1000x128xf32>
    tpu.vector_store %arg11[%swap3A_65, %swap3A_66], %add3A_64 {strides = array<i32>} : memref<1000x128xf32, #tpu.memory_space<vmem>>, vector<1000x128xf32>,
    return
  }
  func.func @transform_0(%arg0: i32) -> (i32, i32) {
    %c0_i32 = arith.constant 0 : i32
    %c0_i32_0 = arith.constant 0 : i32
    return %arg0, %c0_i32 : i32, i32
  }
  func.func @transform_1(%arg0: i32) -> (i32, i32, i32) {
    %c0_i32 = arith.constant 0 : i32
    %c0_i32_0 = arith.constant 0 : i32
    %c0_i32_1 = arith.constant 0 : i32
    return %c0_i32, %arg0, %c0_i32_0 : i32, i32, i32
  }
  func.func @transform_2(%arg0: i32) -> (i32, i32, i32) {
    %c0_i32 = arith.constant 0 : i32
    %c0_i32_0 = arith.constant 0 : i32
    %c0_i32_1 = arith.constant 0 : i32
    return %c0_i32, %arg0, %c0_i32_0 : i32, i32, i32
  }
  func.func @transform_3(%arg0: i32) -> (i32, i32) {
    %c0_i32 = arith.constant 0 : i32
    %c0_i32_0 = arith.constant 0 : i32
    %c0_i32_1 = arith.constant 0 : i32
    return %c0_i32, %c0_i32_0 : i32, i32
  }
  func.func @transform_4(%arg0: i32) -> (i32, i32) {
    %c0_i32 = arith.constant 0 : i32
    %c0_i32_0 = arith.constant 0 : i32
    %c0_i32_1 = arith.constant 0 : i32
    return %c0_i32, %c0_i32_0 : i32, i32
  }
  func.func @transform_5(%arg0: i32) -> (i32, i32) {
    %c0_i32 = arith.constant 0 : i32
    %c0_i32_0 = arith.constant 0 : i32
    %c0_i32_1 = arith.constant 0 : i32
    return %c0_i32, %c0_i32_0 : i32, i32
  }
  func.func @transform_6(%arg0: i32) -> (i32, i32) {
    %c0_i32 = arith.constant 0 : i32
    %c0_i32_0 = arith.constant 0 : i32
    %c0_i32_1 = arith.constant 0 : i32
    return %c0_i32, %c0_i32_0 : i32, i32
  }
  func.func @transform_7(%arg0: i32) -> (i32, i32) {
    %c0_i32 = arith.constant 0 : i32
    %c0_i32_0 = arith.constant 0 : i32
    %c0_i32_1 = arith.constant 0 : i32
    return %c0_i32, %c0_i32_0 : i32, i32
  }
  func.func @transform_8(%arg0: i32) -> (i32, i32) {
    %c0_i32 = arith.constant 0 : i32
    %c0_i32_0 = arith.constant 0 : i32
    %c0_i32_1 = arith.constant 0 : i32
    return %c0_i32, %c0_i32_0 : i32, i32
  }
  func.func @transform_9(%arg0: i32) -> (i32, i32) {
    %c0_i32 = arith.constant 0 : i32
    %c0_i32_0 = arith.constant 0 : i32
    return %arg0, %c0_i32 : i32, i32
  }
  func.func @transform_10(%arg0: i32) -> (i32, i32) {
    %c0_i32 = arith.constant 0 : i32
    %c0_i32_0 = arith.constant 0 : i32
    return %arg0, %c0_i32 : i32, i32
  }
}

module attributes {stable_mosaic.version = 14 : i64} {
  func.func @body(%arg0: i32, %arg1: memref<1000x128xf32, #tpu.memory_space<vmem>>, %arg2: memref<2x1000x128xbf16, #tpu.memory_space<vmem>>, %arg3: memref<2x1000x8xf32, #tpu.memory_space<vmem>>, %arg4: memref<1000x128xf32, #tpu.memory_space<vmem>>) attributes {dimension_semantics = [#tpu.dimension_semantics<arbitrary>], iteration_bounds = array<i64: 10>, scalar_prefetch = 0 : i64, scratch_operands = 0 : i64, tpu.core_type = #tpu.core_type<tc>, window_params = [{transform_indices = @transform_0, window_bounds = array<i64: 1000, 128>}, {transform_indices = @transform_1, window_bounds = array<i64: 2, 1000, 128>}, {transform_indices = @transform_2, window_bounds = array<i64: 2, 1000, 8>}, {transform_indices = @transform_3, window_bounds = array<i64: 1000, 128>}]} {
    %get3A = arith.constant 0 : index
    %get3A_0 = arith.constant 0 : index
    %get3A_1 = arith.constant 0 : index
    %get3A_2 = vector.load %arg3[%get3A, %get3A_0, %get3A_1] : memref<2x1000x8xf32, #tpu.memory_space<vmem>>, vector<1x1000x1xf32>
    %get3A_3 = vector.shape_cast %get3A_2 : vector<1x1000x1xf32> to vector<1000x1xf32>
    %get3A_4 = arith.constant 1 : index
    %get3A_5 = arith.constant 0 : index
    %get3A_6 = arith.constant 0 : index
    %get3A_7 = vector.load %arg3[%get3A_4, %get3A_5, %get3A_6] : memref<2x1000x8xf32, #tpu.memory_space<vmem>>, vector<1x1000x1xf32>
    %get3A_8 = vector.shape_cast %get3A_7 : vector<1x1000x1xf32> to vector<1000x1xf32>
    %add3A = arith.addf %get3A_3, %get3A_8 : vector<1000x1xf32>
    %get3A_9 = arith.constant 0 : index
    %get3A_10 = arith.constant 0 : index
    %get3A_11 = arith.constant 0 : index
    %get3A_12 = vector.load %arg2[%get3A_9, %get3A_10, %get3A_11] : memref<2x1000x128xbf16, #tpu.memory_space<vmem>>, vector<1x1000x128xbf16>
    %get3A_13 = vector.shape_cast %get3A_12 : vector<1x1000x128xbf16> to vector<1000x128xbf16>
    %convert_element_type3A = arith.extf %get3A_13 : vector<1000x128xbf16> to vector<1000x128xf32>
    %get3A_14 = arith.constant 1 : index
    %get3A_15 = arith.constant 0 : index
    %get3A_16 = arith.constant 0 : index
    %get3A_17 = vector.load %arg2[%get3A_14, %get3A_15, %get3A_16] : memref<2x1000x128xbf16, #tpu.memory_space<vmem>>, vector<1x1000x128xbf16>
    %get3A_18 = vector.shape_cast %get3A_17 : vector<1x1000x128xbf16> to vector<1000x128xbf16>
    %convert_element_type3A_19 = arith.extf %get3A_18 : vector<1000x128xbf16> to vector<1000x128xf32>
    %add3A_20 = arith.addf %convert_element_type3A, %convert_element_type3A_19 : vector<1000x128xf32>
    %get3A_21 = arith.constant 0 : index
    %get3A_22 = arith.constant 0 : index
    %get3A_23 = vector.load %arg1[%get3A_21, %get3A_22] : memref<1000x128xf32, #tpu.memory_space<vmem>>, vector<1000x128xf32>
    %max3A = arith.constant 1.000000e+00 : f32
    %max3A_24 = vector.broadcast %max3A : f32 to vector<1000x1xf32>
    %max3A_25 = arith.maximumf %add3A, %max3A_24 : vector<1000x1xf32>
    %div3A = arith.constant 1.000000e+00 : f32
    %div3A_26 = vector.broadcast %div3A : f32 to vector<1000x1xf32>
    %div3A_27 = arith.divf %div3A_26, %max3A_25 : vector<1000x1xf32>
    %mul3A = vector.broadcast %div3A_27 : vector<1000x1xf32> to vector<1000x128xf32>
    %mul3A_28 = arith.mulf %add3A_20, %mul3A : vector<1000x128xf32>
    %add3A_29 = arith.addf %get3A_23, %mul3A_28 : vector<1000x128xf32>
    %swap3A = arith.constant 0 : index
    %swap3A_30 = arith.constant 0 : index
    %swap3A_31 = vector.load %arg4[%swap3A, %swap3A_30] : memref<1000x128xf32, #tpu.memory_space<vmem>>, vector<1000x128xf32>
    tpu.vector_store %arg4[%swap3A, %swap3A_30], %add3A_29 {strides = array<i32>} : memref<1000x128xf32, #tpu.memory_space<vmem>>, vector<1000x128xf32>,
    return
  }
  func.func @transform_0(%arg0: i32) -> (i32, i32) {
    %c0_i32 = arith.constant 0 : i32
    %c0_i32_0 = arith.constant 0 : i32
    return %arg0, %c0_i32 : i32, i32
  }
  func.func @transform_1(%arg0: i32) -> (i32, i32, i32) {
    %c0_i32 = arith.constant 0 : i32
    %c0_i32_0 = arith.constant 0 : i32
    %c0_i32_1 = arith.constant 0 : i32
    return %c0_i32, %arg0, %c0_i32_0 : i32, i32, i32
  }
  func.func @transform_2(%arg0: i32) -> (i32, i32, i32) {
    %c0_i32 = arith.constant 0 : i32
    %c0_i32_0 = arith.constant 0 : i32
    %c0_i32_1 = arith.constant 0 : i32
    return %c0_i32, %arg0, %c0_i32_0 : i32, i32, i32
  }
  func.func @transform_3(%arg0: i32) -> (i32, i32) {
    %c0_i32 = arith.constant 0 : i32
    %c0_i32_0 = arith.constant 0 : i32
    return %arg0, %c0_i32 : i32, i32
  }
}

</mosaic_0001>

<sc_bundles>
// kernel: kernel.6.cloned.1.call-start
scs
__scs_entry_jumppad:
0x0: {  	(pc) =	sbr.rel $0x88, $3  }
0x1: {  	(tag) =	ssettag $0x0;
	lr =	simm.s32 $0x1  }
0x2: {  	[smem:$0x3F99] =	sst lr;
	_ =	strace $0xD0000000  }
0x3: {  	_ = 	snop  }
0x4: {  	_ = 	snop  }
0x5: {  	_ = 	snop  }
0x6: {  	_ = 	snop  }
0x7: {  	_ = 	snop  }
__scs_overlays_trampoline_lowered:
0x8: {  	[smem:$0x3FA8] =	sst s0  }
0x9: {  	[smem:$0x3FA9] =	sst s1  }
0xa: {  	[smem:$0x3FAA] =	sst s2  }
0xb: {  	[smem:$0x3FAB] =	sst s3  }
0xc: {  	[smem:$0x3FAC] =	sst s4  }
0xd: {  	[smem:$0x3FAD] =	sst s5  }
0xe: {  	[smem:$0x3FAE] =	sst s6  }
0xf: {  	[smem:$0x3FAF] =	sst s7  }
0x10: {  	[smem:$0x3FB0] =	sst s8  }
0x11: {  	[smem:$0x3FB1] =	sst s9;
	s0 =	simm.s32 @!p0 $0x0  }
0x12: {  	s1 =	sld [smem:$0x3F97];
	s0 =	simm.s32 @p0 $0x1  }
0x13: {  	[smem:$0x3FB2] =	sst s0;
	s0 =	simm.s32 @!p1 $0x0  }
0x14: {  	s2 =	sld [smem:$0x3F96];
	s0 =	simm.s32 @p1 $0x1  }
0x15: {  	[smem:$0x3FB3] =	sst s0;
	s0 =	simm.s32 @!p2 $0x0  }
0x16: {  	s3 =	sld [smem:$0x3FDB];
	s0 =	simm.s32 @p2 $0x1  }
0x17: {  	s4 =	simm.s32 $0x1BF5;
	[smem:$0x3FB5] =	sst s0  }
0x18: {  	s0 =	sld [smem:$0x3F98];
	_ =	swait.ge [sflag:s4], $0x0  }
0x19: {  	s7 =	sld [smem:$0x3F99]  }
0x1a: {  	s8 =	sadd.s32 $0xFFFFE003, lr  }
0x1b: {  	s9 =	sadd.s32 $0xFFFFFEF7, lr;
	s5 =	simm.s32 $0xFFFFFFFF;
	p2 =	slt.u32 s8, $0xFFFFF086  }
0x1c: {  	p1 =	slt.u32 s9, $0xF7A;
	s5 =	simm.s32 @!p2 $0x0  }
0x1d: {  	s5 =	simm.s32 @p1 $0x1;
	p0 =	seq.s32 s7, s2  }
0x1e: {  	s7 =	smul.u32 @!p0 $0xF7A, s2;
	p2 =	seq.s32 @!p0 s5, $0x0  }
0x1f: {  	s9 =	smul.u32 $0xF7A, s1;
	s8 =	simm.s32 @!p0 $0x1BF5;
	p2 =	por !p2, p0  }
0x20: {  	[sflag:s8] =	ssyncset.s32 @!p0 $0xFFFFF086;
	s6 =	sadd.s32 @!p0 s3, s7;
	s7 =	simm.s32 @!p0 $0x108  }
0x21: {  	s3 =	sadd.s32 s3, s9;
	s6 =	sadd.s32 @!p0 $0x88, s6;
	s7 =	simm.s32 @p2 $0x1082  }
0x22: {  	[simem:s7], [sflag:s8] =	dma.local @!p0 [hbm:s6], $0xF7A  }
0x23: {  	s9 =	sor.u32 $0xD0000000, s2;
	s6 =	simm.s32 $0x108;
	_ =	swait.ge @!p0 [sflag:s8], $0x0  }
0x24: {  	s3 =	sadd.s32 $0x88, s3;
	s6 =	simm.s32 @!p1 $0x1082;
	[sflag:s4] =	ssyncset.s32 $0xFFFFF086  }
0x25: {  	[simem:s6], [sflag:s4] =	dma.local [hbm:s3], $0xF7A  }
0x26: {  	[smem:$0x3F99] =	sst s1;
	(tag) =	ssettag s2;
	_ =	strace s9  }
0x27: {  	s1 =	sld [smem:$0x3FA9]  }
0x28: {  	s2 =	sld [smem:$0x3FAA]  }
0x29: {  	s4 =	sld [smem:$0x3FAC]  }
0x2a: {  	p0 =	seq.s32 s5, $0x0;
	s5 =	sld [smem:$0x3FAD]  }
0x2b: {  	s6 =	sld [smem:$0x3FAE]  }
0x2c: {  	s7 =	sld [smem:$0x3FAF]  }
0x2d: {  	s3 =	simm.s32 $0x108;
	s8 =	sld [smem:$0x3FB0]  }
0x2e: {  	s3 =	simm.s32 @!p0 $0x1082;
	s9 =	sld [smem:$0x3FB1]  }
0x2f: {  	lr =	sadd.s32 s0, s3;
	s0 =	sld [smem:$0x3FA8]  }
0x30: {  	s3 =	sld [smem:$0x3FAB]  }
0x31: {  	[smem:$0x3FB4] =	sst s10  }
0x32: {  	s10 =	sld [smem:$0x3FB2];
	_ =	sdelay $0x3  }
0x33: {  	p0 =	seq.s32 s10, $0x1;
	s10 =	sld [smem:$0x3FB4];
	_ =	sdelay $0x3  }
0x34: {  	[smem:$0x3FB4] =	sst s10  }
0x35: {  	s10 =	sld [smem:$0x3FB3];
	_ =	sdelay $0x3  }
0x36: {  	p1 =	seq.s32 s10, $0x1;
	s10 =	sld [smem:$0x3FB4];
	_ =	sdelay $0x3  }
0x37: {  	[smem:$0x3FB4] =	sst s10  }
0x38: {  	s10 =	sld [smem:$0x3FB5]  }
0x39: {  	_ = 	snop;
	(pc) =	sbr.ind lr, $3  }
0x3a: {  	_ = 	snop  }
0x3b: {  	_ = 	snop  }
0x3c: {  	p2 =	seq.s32 s10, $0x1;
	s10 =	sld [smem:$0x3FB4]  }
0x3d: {  	_ =	shalt  }
0x3e: {  	_ =	shalt  }
0x3f: {  	_ =	shalt  }
0x40: {  	_ =	shalt  }
0x41: {  	_ =	shalt  }
0x42: {  	_ =	shalt  }
0x43: {  	_ =	shalt  }
0x44: {  	_ =	shalt  }
0x45: {  	_ =	shalt  }
0x46: {  	_ =	shalt  }
0x47: {  	_ =	shalt  }
0x48: {  	_ =	shalt  }
0x49: {  	_ =	shalt  }
0x4a: {  	_ =	shalt  }
0x4b: {  	_ =	shalt  }
0x4c: {  	_ =	shalt  }
0x4d: {  	_ =	shalt  }
0x4e: {  	_ =	shalt  }
0x4f: {  	_ =	shalt  }
0x50: {  	_ =	shalt  }
0x51: {  	_ =	shalt  }
0x52: {  	_ =	shalt  }
0x53: {  	_ =	shalt  }
0x54: {  	_ =	shalt  }
0x55: {  	_ =	shalt  }
0x56: {  	_ =	shalt  }
0x57: {  	_ =	shalt  }
0x58: {  	_ =	shalt  }
0x59: {  	_ =	shalt  }
0x5a: {  	_ =	shalt  }
0x5b: {  	_ =	shalt  }
0x5c: {  	_ =	shalt  }
0x5d: {  	_ =	shalt  }
0x5e: {  	_ =	shalt  }
0x5f: {  	_ =	shalt  }
0x60: {  	_ =	shalt  }
0x61: {  	_ =	shalt  }
0x62: {  	_ =	shalt  }
0x63: {  	_ =	shalt  }
0x64: {  	_ =	shalt  }
0x65: {  	_ =	shalt  }
0x66: {  	_ =	shalt  }
0x67: {  	_ =	shalt  }
0x68: {  	_ =	shalt  }
0x69: {  	_ =	shalt  }
0x6a: {  	_ =	shalt  }
0x6b: {  	_ =	shalt  }
0x6c: {  	_ =	shalt  }
0x6d: {  	_ =	shalt  }
0x6e: {  	_ =	shalt  }
0x6f: {  	_ =	shalt  }
0x70: {  	_ =	shalt  }
0x71: {  	_ =	shalt  }
0x72: {  	_ =	shalt  }
0x73: {  	_ =	shalt  }
0x74: {  	_ =	shalt  }
0x75: {  	_ =	shalt  }
0x76: {  	_ =	shalt  }
0x77: {  	_ =	shalt  }
0x78: {  	_ =	shalt  }
0x79: {  	_ =	shalt  }
0x7a: {  	_ =	shalt  }
0x7b: {  	_ =	shalt  }
0x7c: {  	_ =	shalt  }
0x7d: {  	_ =	shalt  }
0x7e: {  	_ =	shalt  }
0x7f: {  	_ =	shalt  }
0x80: {  	_ =	shalt  }
0x81: {  	_ =	shalt  }
0x82: {  	_ =	shalt  }
0x83: {  	_ =	shalt  }
0x84: {  	_ =	shalt  }
0x85: {  	_ =	shalt  }
0x86: {  	_ =	shalt  }
0x87: {  	_ =	shalt  }
.Lfunc_end0:
.L_simem_size_0:
called_computation_lowered:
.L_overlay_start_0:
0x88: {  	s2 =	sld [smem:$0x3FD9]  }
0x89: {  	s3 =	sld [smem:$0x3FFE];
	_ =	sdelay $0x1  }
0x8a: {  	s1 =	srdreg.scid  }
0x8b: {  	s0 =	sand.u32 $0x1, s1  }
0x8c: {  	s17 =	sshll.u32 s0, $0xA;
	s2 =	sadd.s32 s3, s2  }
0x8d: {  	s2 =	sadd.s32 s2, s17  }
0x8e: {  	[smem:$0x3FC0] =	sst s2  }
0x8f: {  	_ = 	snop  }
0x90: {  	s2 =	sld [smem:$0x3FD0];
	(tm) =	ssettm $0x1  }
0x91: {  	s18 =	sld [smem:$0x3FFB];
	_ =	sdelay $0x3  }
0x92: {  	_ =	strace s18  }
0x93: {  	s3 =	sld [smem:$0x3FFC];
	_ =	sdelay $0x3  }
0x94: {  	_ =	strace s3  }
0x95: {  	s3 =	sld [smem:$0x3FFD];
	_ =	sdelay $0x3  }
0x96: {  	_ =	strace s3  }
0x97: {  	_ =	strace $0x8FFFFFFF  }
0x98: {  	s19 =	sld [smem:$0x3FDB];
	_ =	sdelay $0x1  }
0x99: {  	s4 =	simm.s32 $_scs_section_size  }
0x9a: {  	s5 =	simm.s32 $_size__tile_overlayer_lowered;
	s6 =	simm.s32 $_tile_overlayer_lowered  }
0x9b: {  	s22 =	simm.s32 $0x1BFF;
	s21 =	sshll.u32 s6, $0x1;
	s3 =	sadd.s32 s4, s19  }
0x9c: {  	s7 =	simm.s32 $0x0;
	s20 =	sshll.u32 s5, $0x1;
	s5 =	sadd.s32 s21, s3  }
0x9d: {  	[timem:s7], [sflag:s22] =	dma.local [hbm:s5], s20  }
0x9e: {  	_ =	swait.ge [sflag:s22], s20  }
0x9f: {  	s4 =	ssub.s32 $0x0, s20;
	[sflag:s22] =	ssyncset.done $0x0  }
0xa0: {  	[sflag:s22] =	ssyncadd.s32 s4;
	_ =	sdelay $0x1  }
0xa1: {  	s23 =	simm.s32 $0x1B8B  }
0xa2: {  	_ =	swait.ge [sflag:s23], $0x1  }
0xa3: {  	[sflag:s23] =	ssyncset.done $0x0  }
0xa4: {  	s25 =	simm.s32 $0x1B8E;
	s24 =	sld [smem:$0x3FFE];
	[sflag:s23] =	ssyncadd.s32 $0xFFFFFFFF  }
0xa5: {  	s26 =	simm.s32 $execute0_lowered;
	[smem:$0x3FD2] =	sst s25  }
0xa6: {  	s5 =	sshll.u32 s26, $0x1;
	_ =	strace $0x80000046;
	[dreg:$0x1] =	wrdreg $0xFFFFFFFF  }
0xa7: {  	s28 =	simm.s32 $_size_execute0_lowered;
	s3 =	sadd.s32 s3, s5;
	[dreg:$0x0] =	wrdreg $0x0  }
0xa8: {  	s5 =	sshll.u32 s28, $0x1;
	[dreg:$0x2] =	wrdreg s3  }
0xa9: {  	[dreg:$0x3] =	wrdreg s5  }
0xaa: {  	[dreg:$0x4] =	wrdreg $0xC0  }
0xab: {  	_ =	task [dreg:s7], $0x5FFFF  }
0xac: {  	[dreg:$0x1] =	wrdreg $0xFFFFFFFF  }
0xad: {  	[dreg:$0x0] =	wrdreg $0x60  }
0xae: {  	[dreg:$0x2] =	wrdreg s24  }
0xaf: {  	[dreg:$0x3] =	wrdreg s2  }
0xb0: {  	[dreg:$0x4] =	wrdreg $0x7EC00  }
0xb1: {  	[dreg:$0x5] =	wrdreg $0x11E400  }
0xb2: {  	[dreg:$0x6] =	wrdreg $0x9  }
0xb3: {  	_ =	task.clear_ibuf [dreg:s7], $0x7FFFF;
	_ =	strace $0x90000046  }
0xb4: {  	s29 =	simm.s32 $0x9;
	_ =	strace $0x80000048  }
0xb5: {  	_ =	swait.ge [sflag:s29], $0x1  }
0xb6: {  	[sflag:s29] =	ssyncadd.s32 $0xFFFFFFFF  }
0xb7: {  	_ =	strace $0x90000048  }
0xb8: {  	_ =	sfence  }
0xb9: {  	s30 =	sld [smem:$0x0];
	_ =	sdelay $0x2  }
0xba: {  	s31 =	sshll.u32 s1, $0xD;
	s1 =	sshrl.u32 s1, $0x2  }
0xbb: {  	s3 =	sand.u32 $0x4000, s31;
	s1 =	sadd.s32 s1, s30  }
0xbc: {  	s0 =	sor.u32 s3, s0;
	s1 =	sshll.u32 s1, $0x11  }
0xbd: {  	s0 =	sor.u32 s1, s0  }
0xbe: {  	s0 =	sadd.s32 $0x8F2B, s0  }
0xbf: {  	[sflag:s0] =	ssyncadd.remote.s32 $0x1  }
0xc0: {  	_ =	sfence.sel $0xFFFF  }
0xc1: {  	[dreg:$0x0] =	wrdreg $0xFFFFFFFF;
	(pc) =	sbr.abs _section_cstart, $3  }
0xc2: {  	[dreg:$0x1] =	wrdreg $0xFFFFFFFF  }
0xc3: {  	_ =	task.clear_ibuf [dreg:s7], $0x2FFFF;
	_ =	strace $0x9FFFFFFF  }
0xc4: {  	(tm) =	ssettm $0x7FFFFFFF  }
0xc5: {  	_ =	shalt  }
tec
execute0_lowered:
.L_overlay_start_1:
0x0: {  	(tag) =	ssettag $0x1  }
0x1: {  	s7 =	rddreg [dreg:$0x0]  }
0x2: {  	s12 =	rddreg [dreg:$0x1]  }
0x3: {  	s1 =	srdreg.scid;
	s2 =	rddreg [dreg:$0x2]  }
0x4: {  	s0 =	stileid.u32;
	s3 =	rddreg [dreg:$0x3]  }
0x5: {  	s4 =	simm.s32 $0x0;
	s20 =	simm.s32 $0x60;
	s21 =	simm.s32 $0x4EC0  }
0x6: {  	s28 =	simm.s32 $0x0;
	s8 =	sand.u32 $0x1, s1;
	s9 =	smul.u32 $0x13880, s0  }
0x7: {  	s22 =	sshll.u32 s0, $0x1;
	s11 =	smul.u32 $0x1388, s0;
	[smem:$0x7FF] =	sst s4  }
0x8: {  	s5 =	sadd.s32 $0x15E00, s7;
	s26 =	sshll.u32 s0, $0x6;
	s1 =	sor.u32 s8, s22  }
0x9: {  	s10 =	smul.u32 $0x13880, s8;
	_ =	strace $0x80000047;
	s24 =	ssub.s32 $0x2, s8  }
0xa: {  	s18 =	smul.u32 $0x138800, s8;
	s8 =	sor.u32 $0x1C03, s26;
	s22 =	simm.s32 $0x66C0  }
0xb: {  	s26 =	simm.s32 $0x4E60;
	s6 =	smul.u32 $0x4EC, s1;
	s23 =	sshrl.u32 s9, $0x4  }
0xc: {  	s14 =	sshrl.u32 s11, $0x3;
	s25 =	sshrl.u32 s24, $0x1;
	s17 =	sshrl.u32 s9, $0x1  }
0xd: {  	s31 =	sadd.s32 s11, s3;
	s10 =	sadd.s32 s11, s10;
	s15 =	sadd.s32 s23, s7  }
0xe: {  	s14 =	sadd.s32 s14, s7;
	s19 =	ssub.s32 s24, s25;
	s17 =	sadd.s32 s17, s2  }
0xf: {  	s29 =	sadd.s32 s9, s18;
	s18 =	sshrl.u32 s31, $0x3;
	s23 =	simm.s32 $0x1  }
0x10: {  	s24 =	simm.s32 $0x4;
	s25 =	simm.s32 $0x2;
	s13 =	sadd.s32 s6, s7  }
0x11: {  	s10 =	sshrl.u32 s10, $0x3;
	s6 =	sadd.s32 $0x3D400, s7;
	s30 =	sshrl.u32 s29, $0x4  }
0x12: {  	s11 =	sadd.s32 $0x3D600, s14;
	s14 =	smax.u32 s19, $0x1;
	s19 =	simm.s32 $0x11B40  }
0x13: {  	s16 =	sadd.s32 s10, s7;
	s7 =	sadd.s32 $0x2400, s15;
	s9 =	sadd.s32 $0x33600, s13  }
0x14: {  	s10 =	sadd.s32 $0x29800, s13;
	s12 =	sadd.s32 s12, s30;
	s15 =	sshrl.u32 s17, $0x3  }
0x15: {  	s17 =	simm.s32 $0x2760;
	s13 =	sadd.s32 $0x3FE00, s16;
	s16 =	simm.s32 $0x3  }
.LBB2_1:
0x16: {  	[spmem:s15], [sflag:s8] =	dma.local [hbm:s7], $0x1388  }
0x17: {  	_ =	swait.ge [sflag:s16], $0x1388  }
0x18: {  	[sflag:s16] =	ssyncset.done $0x0  }
0x19: {  	[sflag:s16] =	ssyncadd.s32 $0xFFFFEC78  }
0x1a: {  	[tilespmem:s4], [sflag:$0x3] =	stream.linear.gather [hbm4b:s9+s4], $0x2760, $0x38;
	[tilespmem:$0x131D0] =	vst v63  }
0x1b: {  	_ =	swait.ge [sflag:s16], $0x2760  }
0x1c: {  	[sflag:s16] =	ssyncset.done $0x0  }
0x1d: {  	[sflag:s16] =	ssyncadd.s32 $0xFFFFD8A0  }
0x1e: {  	[tilespmem:s17], [sflag:$0x3] =	stream.linear.gather [hbm4b:s10+s4], $0x2760, $0x38;
	[tilespmem:$0x131D0] =	vst v63  }
0x1f: {  	_ =	swait.ge [sflag:s16], $0x2760  }
0x20: {  	[sflag:s16] =	ssyncset.done $0x0  }
0x21: {  	[sflag:s16] =	ssyncadd.s32 $0xFFFFD8A0  }
0x22: {  	[spmem:s18], [sflag:s8] =	dma.local [hbm:s11], $0x271  }
0x23: {  	_ =	swait.ge [sflag:s16], $0x271  }
0x24: {  	[sflag:s16] =	ssyncset.done $0x0  }
0x25: {  	[sflag:s16] =	ssyncadd.s32 $0xFFFFFD8F  }
0x26: {  	[tilespmem:s19], [sflag:$0x3] =	stream.linear.gather [hbm4b:s6+s4], $0x300, $0x38;
	[tilespmem:$0x131D0] =	vst v63  }
0x27: {  	_ =	swait.ge [sflag:s16], $0x300  }
0x28: {  	[sflag:s16] =	ssyncset.done $0x0  }
0x29: {  	[sflag:s16] =	ssyncadd.s32 $0xFFFFFD00  }
0x2a: {  	[bflag:$0x0] =	sbarrier.arrive $0xFFFF  }
0x2b: {  	[tilespmem:s21], [sflag:$0x1] =	stream.indirect.gather [hbm4b:s5+s20], $0x40, s4, s20, $0xb8;
	[tilespmem:$0x131D0] =	vst v63  }
0x2c: {  	s29 =	simm.s32 $0x60  }
0x2d: {  	[tilespmem:s22], [sflag:$0x2] =	stream.indirect.gather [hbm4b:s5+s20], $0x40, s29, s20, $0xb8;
	[tilespmem:$0x131D0] =	vst v63  }
0x2e: {  	_ =	swait.ge [sflag:s23], $0x1800  }
0x2f: {  	[sflag:s23] =	ssyncset.done $0x0  }
0x30: {  	s29 =	simm.s32 $0x2760;
	[sflag:s23] =	ssyncadd.s32 $0xFFFFE800  }
0x31: {  	[spmem:s2] =	stream.indirect.scatter.add.bf16 [tilespmem:s21], [sflag:$0x4], $0x40, s29, s20, $0xb8;
	[tilespmem:$0x131D0] =	vst v63  }
0x32: {  	_ =	swait.ge [sflag:s24], $0x1800  }
0x33: {  	[sflag:s24] =	ssyncset.done $0x0  }
0x34: {  	[sflag:s24] =	ssyncadd.s32 $0xFFFFE800  }
0x35: {  	[spmem:s3] =	stream.indirect.scatter.add.f32 [tilespmem:s19], [sflag:$0x4], $0x8, s29, s20, $0xb8;
	[tilespmem:$0x131D0] =	vst v63  }
0x36: {  	_ =	swait.ge [sflag:s24], $0x300  }
0x37: {  	[sflag:s24] =	ssyncset.done $0x0  }
0x38: {  	s29 =	simm.s32 $0xC0;
	[sflag:s24] =	ssyncadd.s32 $0xFFFFFD00  }
0x39: {  	[tilespmem:s21], [sflag:$0x1] =	stream.indirect.gather [hbm4b:s5+s20], $0x40, s29, s20, $0xb8;
	[tilespmem:$0x131D0] =	vst v63  }
0x3a: {  	_ =	swait.ge [sflag:s25], $0x1800  }
0x3b: {  	[sflag:s25] =	ssyncset.done $0x0  }
0x3c: {  	s29 =	simm.s32 $0x27C0;
	[sflag:s25] =	ssyncadd.s32 $0xFFFFE800  }
0x3d: {  	[spmem:s2] =	stream.indirect.scatter.add.bf16 [tilespmem:s22], [sflag:$0x4], $0x40, s29, s20, $0xb8;
	[tilespmem:$0x131D0] =	vst v63  }
0x3e: {  	_ =	swait.ge [sflag:s24], $0x1800  }
0x3f: {  	[sflag:s24] =	ssyncset.done $0x0  }
0x40: {  	[sflag:s24] =	ssyncadd.s32 $0xFFFFE800  }
0x41: {  	[spmem:s3] =	stream.indirect.scatter.add.f32 [tilespmem:s19], [sflag:$0x3], $0x8, s29, s20, $0xb8;
	[tilespmem:$0x131D0] =	vst v63  }
0x42: {  	_ =	swait.ge [sflag:s16], $0x300  }
0x43: {  	s30 =	simm.s32 $0x600;
	s29 =	simm.s32 $0xC0;
	[sflag:s16] =	ssyncset.done $0x0  }
.LBB2_2:
0x44: {  	s31 =	sadd.s32 $0x60, s29  }
0x45: {  	[sflag:s16] =	ssyncadd.s32 $0xFFFFFD00;
	s1 =	smov.u32 s30;
	s0 =	sadd.s32 $0x300, s30  }
0x46: {  	[tilespmem:s22], [sflag:$0x2] =	stream.indirect.gather [hbm4b:s5+s20], $0x40, s31, s20, $0xb8;
	[tilespmem:$0x131D0] =	vst v63  }
0x47: {  	p0 =	sne.s32 s30, $0x9900;
	_ =	swait.ge [sflag:s23], $0x1800  }
0x48: {  	[sflag:s23] =	ssyncset.done $0x0  }
0x49: {  	s30 =	sadd.s32 $0x2760, s29;
	[sflag:s23] =	ssyncadd.s32 $0xFFFFE800  }
0x4a: {  	[spmem:s2] =	stream.indirect.scatter.add.bf16 [tilespmem:s21], [sflag:$0x4], $0x40, s30, s20, $0xb8;
	[tilespmem:$0x131D0] =	vst v63  }
0x4b: {  	_ =	swait.ge [sflag:s24], $0x1800  }
0x4c: {  	[sflag:s24] =	ssyncset.done $0x0  }
0x4d: {  	[sflag:s24] =	ssyncadd.s32 $0xFFFFE800  }
0x4e: {  	[spmem:s3] =	stream.indirect.scatter.add.f32 [tilespmem:s19], [sflag:$0x4], $0x8, s30, s20, $0xb8;
	[tilespmem:$0x131D0] =	vst v63  }
0x4f: {  	_ =	swait.ge [sflag:s24], $0x300  }
0x50: {  	[sflag:s24] =	ssyncset.done $0x0  }
0x51: {  	s30 =	sadd.s32 $0xC0, s29;
	[sflag:s24] =	ssyncadd.s32 $0xFFFFFD00  }
0x52: {  	[tilespmem:s21], [sflag:$0x1] =	stream.indirect.gather [hbm4b:s5+s20], $0x40, s30, s20, $0xb8;
	[tilespmem:$0x131D0] =	vst v63  }
0x53: {  	_ =	swait.ge [sflag:s25], $0x1800  }
0x54: {  	[sflag:s25] =	ssyncset.done $0x0  }
0x55: {  	s29 =	sadd.s32 $0x27C0, s29;
	[sflag:s25] =	ssyncadd.s32 $0xFFFFE800  }
0x56: {  	[spmem:s2] =	stream.indirect.scatter.add.bf16 [tilespmem:s22], [sflag:$0x4], $0x40, s29, s20, $0xb8;
	[tilespmem:$0x131D0] =	vst v63  }
0x57: {  	_ =	swait.ge [sflag:s24], $0x1800  }
.Ltmp0:
0x58: {  	[sflag:s24] =	ssyncset.done $0x0;
	(pc) =	sbr.rel @p0 .LBB2_2-.Ltmp0, $4  }
0x59: {  	[sflag:s24] =	ssyncadd.s32 $0xFFFFE800  }
0x5a: {  	[spmem:s3] =	stream.indirect.scatter.add.f32 [tilespmem:s19], [sflag:$0x3], $0x8, s29, s20, $0xb8;
	[tilespmem:$0x131D0] =	vst v63  }
0x5b: {  	_ =	swait.ge [sflag:s16], $0x300  }
0x5c: {  	s30 =	smov.u32 s0;
	s29 =	sshra.s32 s1, $0x2;
	[sflag:s16] =	ssyncset.done $0x0  }
0x5d: {  	s0 =	sadd.s32 $0x60, s29;
	[sflag:s16] =	ssyncadd.s32 $0xFFFFFD00  }
0x5e: {  	[tilespmem:s22], [sflag:$0x2] =	stream.indirect.gather [hbm4b:s5+s20], $0x40, s0, s20, $0xb8;
	[tilespmem:$0x131D0] =	vst v63  }
0x5f: {  	_ =	swait.ge [sflag:s23], $0x1800  }
0x60: {  	[sflag:s23] =	ssyncset.done $0x0  }
0x61: {  	s1 =	sadd.s32 $0x2760, s29;
	[sflag:s23] =	ssyncadd.s32 $0xFFFFE800  }
0x62: {  	[spmem:s2] =	stream.indirect.scatter.add.bf16 [tilespmem:s21], [sflag:$0x4], $0x40, s1, s20, $0xb8;
	[tilespmem:$0x131D0] =	vst v63  }
0x63: {  	_ =	swait.ge [sflag:s24], $0x1800  }
0x64: {  	[sflag:s24] =	ssyncset.done $0x0  }
0x65: {  	[sflag:s24] =	ssyncadd.s32 $0xFFFFE800  }
0x66: {  	[spmem:s3] =	stream.indirect.scatter.add.f32 [tilespmem:s19], [sflag:$0x4], $0x8, s1, s20, $0xb8;
	[tilespmem:$0x131D0] =	vst v63  }
0x67: {  	_ =	swait.ge [sflag:s24], $0x300  }
0x68: {  	[sflag:s24] =	ssyncset.done $0x0  }
0x69: {  	s30 =	sadd.s32 $0xC0, s29;
	[sflag:s24] =	ssyncadd.s32 $0xFFFFFD00  }
0x6a: {  	[tilespmem:s21], [sflag:$0x1] =	stream.indirect.gather [hbm4b:s5+s20], $0x40, s30, s20, $0xb8;
	[tilespmem:$0x131D0] =	vst v63  }
0x6b: {  	_ =	swait.ge [sflag:s25], $0x1800  }
0x6c: {  	[sflag:s25] =	ssyncset.done $0x0  }
0x6d: {  	s31 =	sadd.s32 $0x27C0, s29;
	[sflag:s25] =	ssyncadd.s32 $0xFFFFE800  }
0x6e: {  	[spmem:s2] =	stream.indirect.scatter.add.bf16 [tilespmem:s22], [sflag:$0x4], $0x40, s31, s20, $0xb8;
	[tilespmem:$0x131D0] =	vst v63  }
0x6f: {  	_ =	swait.ge [sflag:s24], $0x1800  }
0x70: {  	[sflag:s24] =	ssyncset.done $0x0  }
0x71: {  	[sflag:s24] =	ssyncadd.s32 $0xFFFFE800  }
0x72: {  	[spmem:s3] =	stream.indirect.scatter.add.f32 [tilespmem:s19], [sflag:$0x3], $0x8, s31, s20, $0xb8;
	[tilespmem:$0x131D0] =	vst v63  }
0x73: {  	_ =	swait.ge [sflag:s16], $0x300  }
0x74: {  	[sflag:s16] =	ssyncset.done $0x0  }
0x75: {  	[sflag:s16] =	ssyncadd.s32 $0xFFFFFD00  }
0x76: {  	_ =	swait.ge [sflag:s23], $0x1800  }
0x77: {  	[sflag:s23] =	ssyncset.done $0x0  }
0x78: {  	[sflag:s23] =	ssyncadd.s32 $0xFFFFE800  }
0x79: {  	[spmem:s2] =	stream.indirect.scatter.add.bf16 [tilespmem:s21], [sflag:$0x4], $0x40, s26, s20, $0xb8;
	[tilespmem:$0x131D0] =	vst v63  }
0x7a: {  	_ =	swait.ge [sflag:s24], $0x1800  }
0x7b: {  	[sflag:s24] =	ssyncset.done $0x0  }
0x7c: {  	[sflag:s24] =	ssyncadd.s32 $0xFFFFE800  }
0x7d: {  	[spmem:s3] =	stream.indirect.scatter.add.f32 [tilespmem:s19], [sflag:$0x4], $0x8, s26, s20, $0xb8;
	[tilespmem:$0x131D0] =	vst v63  }
0x7e: {  	_ =	swait.ge [sflag:s24], $0x300  }
0x7f: {  	[sflag:s24] =	ssyncset.done $0x0  }
0x80: {  	[sflag:s24] =	ssyncadd.s32 $0xFFFFFD00  }
0x81: {  	[bflag:$0x0] =	sbarrier.arrive $0xFFFF  }
0x82: {  	[hbm:s12], [sflag:s8] =	dma.local [spmem:s15], $0x1388  }
0x83: {  	s28 =	sadd.s32 $0x1, s28;
	_ =	swait.ge [sflag:s16], $0x1388  }
0x84: {  	p0 =	sne.s32 s28, s14;
	[sflag:s16] =	ssyncset.done $0x0  }
.Ltmp1:
0x85: {  	[sflag:s16] =	ssyncadd.s32 $0xFFFFEC78;
	(pc) =	sbr.rel @p0 .LBB2_1-.Ltmp1, $4  }
0x86: {  	[hbm:s13], [sflag:s8] =	dma.local [spmem:s18], $0x271  }
0x87: {  	_ =	swait.ge [sflag:s16], $0x271  }
0x88: {  	[sflag:s16] =	ssyncset.done $0x0  }
0x89: {  	[sflag:s16] =	ssyncadd.s32 $0xFFFFFD8F  }
0x8a: {  	_ =	sfence.sel $0x180000  }
0x8b: {  	[bflag:$0x0] =	sbarrier.arrive $0xFFFF  }
0x8c: {  	_ =	strace $0x90000047  }
0x8d: {  	s0 =	stileid.u32;
	[bflag:$0x2] =	sbarrier.arrive $0xFFFF  }
0x8e: {  	p0 =	sne.s32 s0, $0x0;
	s0 =	rddreg [dreg:$0x4]  }
0x8f: {  	s0 =	sadd.s32 @!p0 $0x100000, s0  }
0x90: {  	[sflag:s0] =	ssyncadd.tile.s32 @!p0 $0x1;
	_ =	shalt  }
.Lfunc_end2:
_tile_overlayer_lowered:
.L_overlay_start_2:
0x91: {  	(tag) =	ssettag $0x2  }
0x92: {  	s0 =	rddreg [dreg:$0x0];
	s2 =	stileid.u32  }
0x93: {  	s1 =	rddreg [dreg:$0x1];
	p0 =	sne.s32 s2, $0x0  }
0x94: {  	s3 =	rddreg [dreg:$0x2];
	[bflag:$0x3] =	sbarrier.arrive $0xFFFF;
	s2 =	simm.s32 @!p0 $0x1C03  }
0x95: {  	[timem:s3], [sflag:s2] =	dma.local @!p0 [hbm:s0], s1  }
0x96: {  	s0 =	simm.s32 @!p0 $0x3  }
0x97: {  	_ =	swait.ge @!p0 [sflag:s0], s1  }
0x98: {  	s1 =	ssub.s32 @!p0 $0x0, s1;
	[sflag:s0] =	ssyncset.done @!p0 $0x0  }
0x99: {  	[sflag:s0] =	ssyncadd.s32 @!p0 s1  }
0x9a: {  	[bflag:$0x3] =	sbarrier.arrive $0xFFFF  }
0x9b: {  	_ =	shalt  }

// kernel: kernel.9.cloned.1.call-start
scs
__scs_entry_jumppad:
0x0: {  	(pc) =	sbr.rel $0x88, $3  }
0x1: {  	(tag) =	ssettag $0x0;
	lr =	simm.s32 $0x1  }
0x2: {  	[smem:$0x3F99] =	sst lr;
	_ =	strace $0xD0000000  }
0x3: {  	_ = 	snop  }
0x4: {  	_ = 	snop  }
0x5: {  	_ = 	snop  }
0x6: {  	_ = 	snop  }
0x7: {  	_ = 	snop  }
__scs_overlays_trampoline_lowered:
0x8: {  	[smem:$0x3FA8] =	sst s0  }
0x9: {  	[smem:$0x3FA9] =	sst s1  }
0xa: {  	[smem:$0x3FAA] =	sst s2  }
0xb: {  	[smem:$0x3FAB] =	sst s3  }
0xc: {  	[smem:$0x3FAC] =	sst s4  }
0xd: {  	[smem:$0x3FAD] =	sst s5  }
0xe: {  	[smem:$0x3FAE] =	sst s6  }
0xf: {  	[smem:$0x3FAF] =	sst s7  }
0x10: {  	[smem:$0x3FB0] =	sst s8  }
0x11: {  	[smem:$0x3FB1] =	sst s9;
	s0 =	simm.s32 @!p0 $0x0  }
0x12: {  	s1 =	sld [smem:$0x3F97];
	s0 =	simm.s32 @p0 $0x1  }
0x13: {  	[smem:$0x3FB2] =	sst s0;
	s0 =	simm.s32 @!p1 $0x0  }
0x14: {  	s2 =	sld [smem:$0x3F96];
	s0 =	simm.s32 @p1 $0x1  }
0x15: {  	[smem:$0x3FB3] =	sst s0;
	s0 =	simm.s32 @!p2 $0x0  }
0x16: {  	s3 =	sld [smem:$0x3FDB];
	s0 =	simm.s32 @p2 $0x1  }
0x17: {  	s4 =	simm.s32 $0x1BF5;
	[smem:$0x3FB5] =	sst s0  }
0x18: {  	s0 =	sld [smem:$0x3F98];
	_ =	swait.ge [sflag:s4], $0x0  }
0x19: {  	s7 =	sld [smem:$0x3F99]  }
0x1a: {  	s8 =	sadd.s32 $0xFFFFE003, lr  }
0x1b: {  	s9 =	sadd.s32 $0xFFFFFEF7, lr;
	s5 =	simm.s32 $0xFFFFFFFF;
	p2 =	slt.u32 s8, $0xFFFFF086  }
0x1c: {  	p1 =	slt.u32 s9, $0xF7A;
	s5 =	simm.s32 @!p2 $0x0  }
0x1d: {  	s5 =	simm.s32 @p1 $0x1;
	p0 =	seq.s32 s7, s2  }
0x1e: {  	s7 =	smul.u32 @!p0 $0xF7A, s2;
	p2 =	seq.s32 @!p0 s5, $0x0  }
0x1f: {  	s9 =	smul.u32 $0xF7A, s1;
	s8 =	simm.s32 @!p0 $0x1BF5;
	p2 =	por !p2, p0  }
0x20: {  	[sflag:s8] =	ssyncset.s32 @!p0 $0xFFFFF086;
	s6 =	sadd.s32 @!p0 s3, s7;
	s7 =	simm.s32 @!p0 $0x108  }
0x21: {  	s3 =	sadd.s32 s3, s9;
	s6 =	sadd.s32 @!p0 $0x88, s6;
	s7 =	simm.s32 @p2 $0x1082  }
0x22: {  	[simem:s7], [sflag:s8] =	dma.local @!p0 [hbm:s6], $0xF7A  }
0x23: {  	s9 =	sor.u32 $0xD0000000, s2;
	s6 =	simm.s32 $0x108;
	_ =	swait.ge @!p0 [sflag:s8], $0x0  }
0x24: {  	s3 =	sadd.s32 $0x88, s3;
	s6 =	simm.s32 @!p1 $0x1082;
	[sflag:s4] =	ssyncset.s32 $0xFFFFF086  }
0x25: {  	[simem:s6], [sflag:s4] =	dma.local [hbm:s3], $0xF7A  }
0x26: {  	[smem:$0x3F99] =	sst s1;
	(tag) =	ssettag s2;
	_ =	strace s9  }
0x27: {  	s1 =	sld [smem:$0x3FA9]  }
0x28: {  	s2 =	sld [smem:$0x3FAA]  }
0x29: {  	s4 =	sld [smem:$0x3FAC]  }
0x2a: {  	p0 =	seq.s32 s5, $0x0;
	s5 =	sld [smem:$0x3FAD]  }
0x2b: {  	s6 =	sld [smem:$0x3FAE]  }
0x2c: {  	s7 =	sld [smem:$0x3FAF]  }
0x2d: {  	s3 =	simm.s32 $0x108;
	s8 =	sld [smem:$0x3FB0]  }
0x2e: {  	s3 =	simm.s32 @!p0 $0x1082;
	s9 =	sld [smem:$0x3FB1]  }
0x2f: {  	lr =	sadd.s32 s0, s3;
	s0 =	sld [smem:$0x3FA8]  }
0x30: {  	s3 =	sld [smem:$0x3FAB]  }
0x31: {  	[smem:$0x3FB4] =	sst s10  }
0x32: {  	s10 =	sld [smem:$0x3FB2];
	_ =	sdelay $0x3  }
0x33: {  	p0 =	seq.s32 s10, $0x1;
	s10 =	sld [smem:$0x3FB4];
	_ =	sdelay $0x3  }
0x34: {  	[smem:$0x3FB4] =	sst s10  }
0x35: {  	s10 =	sld [smem:$0x3FB3];
	_ =	sdelay $0x3  }
0x36: {  	p1 =	seq.s32 s10, $0x1;
	s10 =	sld [smem:$0x3FB4];
	_ =	sdelay $0x3  }
0x37: {  	[smem:$0x3FB4] =	sst s10  }
0x38: {  	s10 =	sld [smem:$0x3FB5]  }
0x39: {  	_ = 	snop;
	(pc) =	sbr.ind lr, $3  }
0x3a: {  	_ = 	snop  }
0x3b: {  	_ = 	snop  }
0x3c: {  	p2 =	seq.s32 s10, $0x1;
	s10 =	sld [smem:$0x3FB4]  }
0x3d: {  	_ =	shalt  }
0x3e: {  	_ =	shalt  }
0x3f: {  	_ =	shalt  }
0x40: {  	_ =	shalt  }
0x41: {  	_ =	shalt  }
0x42: {  	_ =	shalt  }
0x43: {  	_ =	shalt  }
0x44: {  	_ =	shalt  }
0x45: {  	_ =	shalt  }
0x46: {  	_ =	shalt  }
0x47: {  	_ =	shalt  }
0x48: {  	_ =	shalt  }
0x49: {  	_ =	shalt  }
0x4a: {  	_ =	shalt  }
0x4b: {  	_ =	shalt  }
0x4c: {  	_ =	shalt  }
0x4d: {  	_ =	shalt  }
0x4e: {  	_ =	shalt  }
0x4f: {  	_ =	shalt  }
0x50: {  	_ =	shalt  }
0x51: {  	_ =	shalt  }
0x52: {  	_ =	shalt  }
0x53: {  	_ =	shalt  }
0x54: {  	_ =	shalt  }
0x55: {  	_ =	shalt  }
0x56: {  	_ =	shalt  }
0x57: {  	_ =	shalt  }
0x58: {  	_ =	shalt  }
0x59: {  	_ =	shalt  }
0x5a: {  	_ =	shalt  }
0x5b: {  	_ =	shalt  }
0x5c: {  	_ =	shalt  }
0x5d: {  	_ =	shalt  }
0x5e: {  	_ =	shalt  }
0x5f: {  	_ =	shalt  }
0x60: {  	_ =	shalt  }
0x61: {  	_ =	shalt  }
0x62: {  	_ =	shalt  }
0x63: {  	_ =	shalt  }
0x64: {  	_ =	shalt  }
0x65: {  	_ =	shalt  }
0x66: {  	_ =	shalt  }
0x67: {  	_ =	shalt  }
0x68: {  	_ =	shalt  }
0x69: {  	_ =	shalt  }
0x6a: {  	_ =	shalt  }
0x6b: {  	_ =	shalt  }
0x6c: {  	_ =	shalt  }
0x6d: {  	_ =	shalt  }
0x6e: {  	_ =	shalt  }
0x6f: {  	_ =	shalt  }
0x70: {  	_ =	shalt  }
0x71: {  	_ =	shalt  }
0x72: {  	_ =	shalt  }
0x73: {  	_ =	shalt  }
0x74: {  	_ =	shalt  }
0x75: {  	_ =	shalt  }
0x76: {  	_ =	shalt  }
0x77: {  	_ =	shalt  }
0x78: {  	_ =	shalt  }
0x79: {  	_ =	shalt  }
0x7a: {  	_ =	shalt  }
0x7b: {  	_ =	shalt  }
0x7c: {  	_ =	shalt  }
0x7d: {  	_ =	shalt  }
0x7e: {  	_ =	shalt  }
0x7f: {  	_ =	shalt  }
0x80: {  	_ =	shalt  }
0x81: {  	_ =	shalt  }
0x82: {  	_ =	shalt  }
0x83: {  	_ =	shalt  }
0x84: {  	_ =	shalt  }
0x85: {  	_ =	shalt  }
0x86: {  	_ =	shalt  }
0x87: {  	_ =	shalt  }
.Lfunc_end0:
.L_simem_size_0:
called_computation.1_lowered:
.L_overlay_start_0:
0x88: {  	s2 =	sld [smem:$0x3FD9]  }
0x89: {  	s3 =	sld [smem:$0x3FFE];
	_ =	sdelay $0x1  }
0x8a: {  	s1 =	srdreg.scid  }
0x8b: {  	s0 =	sand.u32 $0x1, s1  }
0x8c: {  	s17 =	sshll.u32 s0, $0xA;
	s2 =	sadd.s32 s3, s2  }
0x8d: {  	s2 =	sadd.s32 s2, s17  }
0x8e: {  	[smem:$0x3FC0] =	sst s2  }
0x8f: {  	_ = 	snop  }
0x90: {  	s2 =	sld [smem:$0x3FD0];
	(tm) =	ssettm $0x1  }
0x91: {  	s18 =	sld [smem:$0x3FFB];
	_ =	sdelay $0x3  }
0x92: {  	_ =	strace s18  }
0x93: {  	s3 =	sld [smem:$0x3FFC];
	_ =	sdelay $0x3  }
0x94: {  	_ =	strace s3  }
0x95: {  	s3 =	sld [smem:$0x3FFD];
	_ =	sdelay $0x3  }
0x96: {  	_ =	strace s3  }
0x97: {  	_ =	strace $0x8FFFFFFF  }
0x98: {  	s19 =	sld [smem:$0x3FDB];
	_ =	sdelay $0x1  }
0x99: {  	s4 =	simm.s32 $_scs_section_size  }
0x9a: {  	s5 =	simm.s32 $_size__tile_overlayer_lowered;
	s6 =	simm.s32 $_tile_overlayer_lowered  }
0x9b: {  	s22 =	simm.s32 $0x1BFF;
	s21 =	sshll.u32 s6, $0x1;
	s3 =	sadd.s32 s4, s19  }
0x9c: {  	s7 =	simm.s32 $0x0;
	s20 =	sshll.u32 s5, $0x1;
	s5 =	sadd.s32 s21, s3  }
0x9d: {  	[timem:s7], [sflag:s22] =	dma.local [hbm:s5], s20  }
0x9e: {  	_ =	swait.ge [sflag:s22], s20  }
0x9f: {  	s4 =	ssub.s32 $0x0, s20;
	[sflag:s22] =	ssyncset.done $0x0  }
0xa0: {  	[sflag:s22] =	ssyncadd.s32 s4;
	_ =	sdelay $0x1  }
0xa1: {  	s23 =	simm.s32 $0x1B8B  }
0xa2: {  	_ =	swait.ge [sflag:s23], $0x1  }
0xa3: {  	[sflag:s23] =	ssyncset.done $0x0  }
0xa4: {  	s25 =	simm.s32 $0x1B8E;
	s24 =	sld [smem:$0x3FFE];
	[sflag:s23] =	ssyncadd.s32 $0xFFFFFFFF  }
0xa5: {  	s26 =	simm.s32 $execute0_lowered;
	[smem:$0x3FD2] =	sst s25  }
0xa6: {  	s5 =	sshll.u32 s26, $0x1;
	_ =	strace $0x80000049;
	[dreg:$0x1] =	wrdreg $0xFFFFFFFF  }
0xa7: {  	s28 =	simm.s32 $_size_execute0_lowered;
	s3 =	sadd.s32 s3, s5;
	[dreg:$0x0] =	wrdreg $0x0  }
0xa8: {  	s5 =	sshll.u32 s28, $0x1;
	[dreg:$0x2] =	wrdreg s3  }
0xa9: {  	[dreg:$0x3] =	wrdreg s5  }
0xaa: {  	[dreg:$0x4] =	wrdreg $0xC0  }
0xab: {  	_ =	task [dreg:s7], $0x5FFFF  }
0xac: {  	[dreg:$0x1] =	wrdreg $0xFFFFFFFF  }
0xad: {  	[dreg:$0x0] =	wrdreg $0x60  }
0xae: {  	[dreg:$0x2] =	wrdreg s24  }
0xaf: {  	[dreg:$0x3] =	wrdreg s2  }
0xb0: {  	[dreg:$0x4] =	wrdreg $0x7EC00  }
0xb1: {  	[dreg:$0x5] =	wrdreg $0x9  }
0xb2: {  	_ =	task.clear_ibuf [dreg:s7], $0x6FFFF;
	_ =	strace $0x90000049  }
0xb3: {  	s29 =	simm.s32 $0x9;
	_ =	strace $0x8000004B  }
0xb4: {  	_ =	swait.ge [sflag:s29], $0x1  }
0xb5: {  	[sflag:s29] =	ssyncadd.s32 $0xFFFFFFFF  }
0xb6: {  	_ =	strace $0x9000004B  }
0xb7: {  	_ =	sfence  }
0xb8: {  	s30 =	sld [smem:$0x0];
	_ =	sdelay $0x2  }
0xb9: {  	s31 =	sshll.u32 s1, $0xD;
	s1 =	sshrl.u32 s1, $0x2  }
0xba: {  	s3 =	sand.u32 $0x4000, s31;
	s1 =	sadd.s32 s1, s30  }
0xbb: {  	s0 =	sor.u32 s3, s0;
	s1 =	sshll.u32 s1, $0x11  }
0xbc: {  	s0 =	sor.u32 s1, s0  }
0xbd: {  	s0 =	sadd.s32 $0x8F2B, s0  }
0xbe: {  	[sflag:s0] =	ssyncadd.remote.s32 $0x1  }
0xbf: {  	_ =	sfence.sel $0xFFFF  }
0xc0: {  	[dreg:$0x0] =	wrdreg $0xFFFFFFFF;
	(pc) =	sbr.abs _section_cstart, $3  }
0xc1: {  	[dreg:$0x1] =	wrdreg $0xFFFFFFFF  }
0xc2: {  	_ =	task.clear_ibuf [dreg:s7], $0x2FFFF;
	_ =	strace $0x9FFFFFFF  }
0xc3: {  	(tm) =	ssettm $0x7FFFFFFF  }
tec
execute0_lowered:
.L_overlay_start_1:
0x0: {  	(tag) =	ssettag $0x1  }
0x1: {  	s5 =	rddreg [dreg:$0x0]  }
0x2: {  	s9 =	rddreg [dreg:$0x1];
	s1 =	srdreg.scid  }
0x3: {  	s0 =	stileid.u32;
	s2 =	rddreg [dreg:$0x2]  }
0x4: {  	s3 =	simm.s32 $0x0;
	s14 =	simm.s32 $0x60;
	s15 =	simm.s32 $0x4EC0  }
0x5: {  	s16 =	simm.s32 $0x66C0;
	s17 =	simm.s32 $0x1;
	s18 =	simm.s32 $0x4  }
0x6: {  	s19 =	simm.s32 $0x2;
	s20 =	simm.s32 $0x4E60;
	s21 =	simm.s32 $0x0  }
0x7: {  	s6 =	sand.u32 $0x1, s1;
	s4 =	sshll.u32 s0, $0x1;
	s1 =	rddreg [dreg:$0x3]  }
0x8: {  	[smem:$0x7FF] =	sst s3;
	s8 =	smul.u32 $0x13880, s0;
	s31 =	sshll.u32 s0, $0x6  }
0x9: {  	s4 =	sor.u32 s6, s4;
	s26 =	ssub.s32 $0x2, s6;
	s6 =	smul.u32 $0x138800, s6  }
0xa: {  	_ =	strace $0x8000004A;
	s7 =	smul.u32 $0x4EC, s4;
	s4 =	sadd.s32 $0x15E00, s5  }
0xb: {  	s11 =	sshrl.u32 s8, $0x4;
	s12 =	sshrl.u32 s26, $0x1;
	s29 =	sshrl.u32 s8, $0x1  }
0xc: {  	s28 =	ssub.s32 s26, s12;
	s30 =	sadd.s32 s29, s2;
	s8 =	sadd.s32 s8, s6  }
0xd: {  	s6 =	sor.u32 $0x1C03, s31;
	s12 =	simm.s32 $0x3;
	s10 =	sadd.s32 s7, s5  }
0xe: {  	s5 =	sadd.s32 s11, s5;
	s13 =	sshrl.u32 s8, $0x4;
	s11 =	sshrl.u32 s30, $0x3  }
0xf: {  	s5 =	sadd.s32 $0x2400, s5;
	s7 =	sadd.s32 $0x33600, s10;
	s8 =	sadd.s32 $0x29800, s10  }
0x10: {  	s9 =	sadd.s32 s9, s13;
	s10 =	smax.u32 s28, $0x1;
	s13 =	simm.s32 $0x2760  }
.LBB2_1:
0x11: {  	[spmem:s11], [sflag:s6] =	dma.local [hbm:s5], $0x1388  }
0x12: {  	_ =	swait.ge [sflag:s12], $0x1388  }
0x13: {  	[sflag:s12] =	ssyncset.done $0x0  }
0x14: {  	[sflag:s12] =	ssyncadd.s32 $0xFFFFEC78  }
0x15: {  	[tilespmem:s3], [sflag:$0x3] =	stream.linear.gather [hbm4b:s7+s3], $0x2760, $0x38;
	[tilespmem:$0x11B40] =	vst v63  }
0x16: {  	_ =	swait.ge [sflag:s12], $0x2760  }
0x17: {  	[sflag:s12] =	ssyncset.done $0x0  }
0x18: {  	[sflag:s12] =	ssyncadd.s32 $0xFFFFD8A0  }
0x19: {  	[tilespmem:s13], [sflag:$0x3] =	stream.linear.gather [hbm4b:s8+s3], $0x2760, $0x38;
	[tilespmem:$0x11B40] =	vst v63  }
0x1a: {  	_ =	swait.ge [sflag:s12], $0x2760  }
0x1b: {  	[sflag:s12] =	ssyncset.done $0x0  }
0x1c: {  	[sflag:s12] =	ssyncadd.s32 $0xFFFFD8A0  }
0x1d: {  	[bflag:$0x0] =	sbarrier.arrive $0xFFFF  }
0x1e: {  	[tilespmem:s15], [sflag:$0x1] =	stream.indirect.gather [hbm4b:s4+s14], $0x40, s3, s14, $0xb8;
	[tilespmem:$0x11B40] =	vst v63  }
0x1f: {  	s22 =	simm.s32 $0x60  }
0x20: {  	[tilespmem:s16], [sflag:$0x2] =	stream.indirect.gather [hbm4b:s4+s14], $0x40, s22, s14, $0xb8;
	[tilespmem:$0x11B40] =	vst v63  }
0x21: {  	_ =	swait.ge [sflag:s17], $0x1800  }
0x22: {  	[sflag:s17] =	ssyncset.done $0x0  }
0x23: {  	s29 =	simm.s32 $0x2760;
	[sflag:s17] =	ssyncadd.s32 $0xFFFFE800  }
0x24: {  	[spmem:s2] =	stream.indirect.scatter.add.bf16 [tilespmem:s15], [sflag:$0x4], $0x40, s29, s14, $0xb8;
	[tilespmem:$0x11B40] =	vst v63  }
0x25: {  	_ =	swait.ge [sflag:s18], $0x1800  }
0x26: {  	[sflag:s18] =	ssyncset.done $0x0  }
0x27: {  	s30 =	simm.s32 $0xC0;
	[sflag:s18] =	ssyncadd.s32 $0xFFFFE800  }
0x28: {  	[tilespmem:s15], [sflag:$0x1] =	stream.indirect.gather [hbm4b:s4+s14], $0x40, s30, s14, $0xb8;
	[tilespmem:$0x11B40] =	vst v63  }
0x29: {  	_ =	swait.ge [sflag:s19], $0x1800  }
0x2a: {  	[sflag:s19] =	ssyncset.done $0x0  }
0x2b: {  	s31 =	simm.s32 $0x27C0;
	[sflag:s19] =	ssyncadd.s32 $0xFFFFE800  }
0x2c: {  	[spmem:s2] =	stream.indirect.scatter.add.bf16 [tilespmem:s16], [sflag:$0x3], $0x40, s31, s14, $0xb8;
	[tilespmem:$0x11B40] =	vst v63  }
0x2d: {  	_ =	swait.ge [sflag:s12], $0x1800  }
0x2e: {  	s23 =	simm.s32 $0x600;
	s22 =	simm.s32 $0xC0;
	[sflag:s12] =	ssyncset.done $0x0  }
.LBB2_2:
0x2f: {  	s24 =	sadd.s32 $0x60, s22  }
0x30: {  	[sflag:s12] =	ssyncadd.s32 $0xFFFFE800;
	s25 =	smov.u32 s23;
	s26 =	sadd.s32 $0x300, s23  }
0x31: {  	[tilespmem:s16], [sflag:$0x2] =	stream.indirect.gather [hbm4b:s4+s14], $0x40, s24, s14, $0xb8;
	[tilespmem:$0x11B40] =	vst v63  }
0x32: {  	p0 =	sne.s32 s23, $0x9900;
	_ =	swait.ge [sflag:s17], $0x1800  }
0x33: {  	[sflag:s17] =	ssyncset.done $0x0  }
0x34: {  	s23 =	sadd.s32 $0x2760, s22;
	[sflag:s17] =	ssyncadd.s32 $0xFFFFE800  }
0x35: {  	[spmem:s2] =	stream.indirect.scatter.add.bf16 [tilespmem:s15], [sflag:$0x4], $0x40, s23, s14, $0xb8;
	[tilespmem:$0x11B40] =	vst v63  }
0x36: {  	_ =	swait.ge [sflag:s18], $0x1800  }
0x37: {  	[sflag:s18] =	ssyncset.done $0x0  }
0x38: {  	s23 =	sadd.s32 $0xC0, s22;
	[sflag:s18] =	ssyncadd.s32 $0xFFFFE800  }
0x39: {  	[tilespmem:s15], [sflag:$0x1] =	stream.indirect.gather [hbm4b:s4+s14], $0x40, s23, s14, $0xb8;
	[tilespmem:$0x11B40] =	vst v63  }
0x3a: {  	_ =	swait.ge [sflag:s19], $0x1800  }
.Ltmp0:
0x3b: {  	[sflag:s19] =	ssyncset.done $0x0;
	(pc) =	sbr.rel @p0 .LBB2_2-.Ltmp0, $4  }
0x3c: {  	s22 =	sadd.s32 $0x27C0, s22;
	[sflag:s19] =	ssyncadd.s32 $0xFFFFE800  }
0x3d: {  	[spmem:s2] =	stream.indirect.scatter.add.bf16 [tilespmem:s16], [sflag:$0x3], $0x40, s22, s14, $0xb8;
	[tilespmem:$0x11B40] =	vst v63  }
0x3e: {  	_ =	swait.ge [sflag:s12], $0x1800  }
0x3f: {  	s23 =	smov.u32 s26;
	s22 =	sshra.s32 s25, $0x2;
	[sflag:s12] =	ssyncset.done $0x0  }
0x40: {  	s23 =	sadd.s32 $0x60, s22;
	[sflag:s12] =	ssyncadd.s32 $0xFFFFE800  }
0x41: {  	[tilespmem:s16], [sflag:$0x2] =	stream.indirect.gather [hbm4b:s4+s14], $0x40, s23, s14, $0xb8;
	[tilespmem:$0x11B40] =	vst v63  }
0x42: {  	_ =	swait.ge [sflag:s17], $0x1800  }
0x43: {  	[sflag:s17] =	ssyncset.done $0x0  }
0x44: {  	s29 =	sadd.s32 $0x2760, s22;
	[sflag:s17] =	ssyncadd.s32 $0xFFFFE800  }
0x45: {  	[spmem:s2] =	stream.indirect.scatter.add.bf16 [tilespmem:s15], [sflag:$0x4], $0x40, s29, s14, $0xb8;
	[tilespmem:$0x11B40] =	vst v63  }
0x46: {  	_ =	swait.ge [sflag:s18], $0x1800  }
0x47: {  	[sflag:s18] =	ssyncset.done $0x0  }
0x48: {  	s30 =	sadd.s32 $0xC0, s22;
	[sflag:s18] =	ssyncadd.s32 $0xFFFFE800  }
0x49: {  	[tilespmem:s15], [sflag:$0x1] =	stream.indirect.gather [hbm4b:s4+s14], $0x40, s30, s14, $0xb8;
	[tilespmem:$0x11B40] =	vst v63  }
0x4a: {  	_ =	swait.ge [sflag:s19], $0x1800  }
0x4b: {  	[sflag:s19] =	ssyncset.done $0x0  }
0x4c: {  	s31 =	sadd.s32 $0x27C0, s22;
	[sflag:s19] =	ssyncadd.s32 $0xFFFFE800  }
0x4d: {  	[spmem:s2] =	stream.indirect.scatter.add.bf16 [tilespmem:s16], [sflag:$0x3], $0x40, s31, s14, $0xb8;
	[tilespmem:$0x11B40] =	vst v63  }
0x4e: {  	_ =	swait.ge [sflag:s12], $0x1800  }
0x4f: {  	[sflag:s12] =	ssyncset.done $0x0  }
0x50: {  	[sflag:s12] =	ssyncadd.s32 $0xFFFFE800  }
0x51: {  	_ =	swait.ge [sflag:s17], $0x1800  }
0x52: {  	[sflag:s17] =	ssyncset.done $0x0  }
0x53: {  	[sflag:s17] =	ssyncadd.s32 $0xFFFFE800  }
0x54: {  	[spmem:s2] =	stream.indirect.scatter.add.bf16 [tilespmem:s15], [sflag:$0x4], $0x40, s20, s14, $0xb8;
	[tilespmem:$0x11B40] =	vst v63  }
0x55: {  	_ =	swait.ge [sflag:s18], $0x1800  }
0x56: {  	s21 =	sadd.s32 $0x1, s21;
	[sflag:s18] =	ssyncset.done $0x0  }
0x57: {  	p0 =	sne.s32 s21, s10;
	[sflag:s18] =	ssyncadd.s32 $0xFFFFE800  }
.Ltmp1:
0x58: {  	[bflag:$0x0] =	sbarrier.arrive $0xFFFF;
	(pc) =	sbr.rel @p0 .LBB2_1-.Ltmp1, $4  }
0x59: {  	[hbm:s9], [sflag:s6] =	dma.local [spmem:s11], $0x1388  }
0x5a: {  	_ =	swait.ge [sflag:s12], $0x1388  }
0x5b: {  	[sflag:s12] =	ssyncset.done $0x0  }
0x5c: {  	[sflag:s12] =	ssyncadd.s32 $0xFFFFEC78  }
0x5d: {  	_ =	sfence.sel $0x180000  }
0x5e: {  	[bflag:$0x0] =	sbarrier.arrive $0xFFFF  }
0x5f: {  	p0 =	sne.s32 s0, $0x0;
	_ =	strace $0x9000004A  }
0x60: {  	s0 =	sadd.s32 @!p0 $0x100000, s1;
	[bflag:$0x2] =	sbarrier.arrive $0xFFFF  }
0x61: {  	[sflag:s0] =	ssyncadd.tile.s32 @!p0 $0x1;
	_ =	shalt  }
.Lfunc_end2:
_tile_overlayer_lowered:
.L_overlay_start_2:
0x62: {  	(tag) =	ssettag $0x2  }
0x63: {  	s0 =	rddreg [dreg:$0x0];
	s2 =	stileid.u32  }
0x64: {  	s1 =	rddreg [dreg:$0x1];
	p0 =	sne.s32 s2, $0x0  }
0x65: {  	s3 =	rddreg [dreg:$0x2];
	[bflag:$0x3] =	sbarrier.arrive $0xFFFF;
	s2 =	simm.s32 @!p0 $0x1C03  }
0x66: {  	[timem:s3], [sflag:s2] =	dma.local @!p0 [hbm:s0], s1  }
0x67: {  	s0 =	simm.s32 @!p0 $0x3  }
0x68: {  	_ =	swait.ge @!p0 [sflag:s0], s1  }
0x69: {  	s1 =	ssub.s32 @!p0 $0x0, s1;
	[sflag:s0] =	ssyncset.done @!p0 $0x0  }
0x6a: {  	[sflag:s0] =	ssyncadd.s32 @!p0 s1  }
0x6b: {  	[bflag:$0x3] =	sbarrier.arrive $0xFFFF  }
0x6c: {  	_ =	shalt  }

</sc_bundles>
